<compile_context>
chip_gen: v7x
topology: tpu7x:2x2x1
jax: 0.10.2.dev20260603
libtpu: 0.0.44.dev20260713+nightly
codegen_flags: <defaults>
</compile_context>

<pallas_src>
import functools

import jax
import jax.numpy as jnp
from jax import lax
from jax.experimental import pallas as pl
from jax.experimental.pallas import tpu as pltpu
from jax.experimental.pallas import tpu_sc as plsc

EMBED = 64
COMB = 2 * EMBED
NCORES = 2
NSUB = 16
NWORKERS = NCORES * NSUB
CHUNK = 128
TILE = 4096


def _sc_gather(idx_all, B, table, w2):
    per_w = B // NWORKERS
    n_chunks = per_w // CHUNK
    assert n_chunks % 2 == 0
    rows_out = jax.ShapeDtypeStruct((3 * B, COMB), jnp.float32)
    vec_out = jax.ShapeDtypeStruct((2 * B,), jnp.float32)
    mesh = plsc.VectorSubcoreMesh(
        core_axis_name="c", subcore_axis_name="s",
        num_cores=NCORES, num_subcores=NSUB)

    rbuf = pltpu.VMEM((CHUNK, COMB), jnp.float32)
    stage = pltpu.VMEM((per_w,), jnp.float32)

    @functools.partial(
        pl.kernel,
        out_type=[rows_out, vec_out],
        mesh=mesh,
        compiler_params=pltpu.CompilerParams(
            needs_layout_passes=False, use_tc_tiling_on_sc=True),
        scratch_types=[
            pltpu.VMEM((per_w,), jnp.int32),
            pltpu.VMEM((per_w,), jnp.int32),
            pltpu.VMEM((per_w,), jnp.int32),
            [rbuf] * 3,
            [rbuf] * 3,
            [stage] * 2,
            pltpu.SemaphoreType.DMA,
            pltpu.SemaphoreType.DMA,
            pltpu.SemaphoreType.DMA,
        ],
    )
    def k(idx_h, table_h, w2_h, o_rows, o_w,
          idx_u, idx_p, idx_n, bufa, bufb, st, sem_g, sem_o, sem_s):
        wid = lax.axis_index("s") * NCORES + lax.axis_index("c")
        base = wid * per_w
        pltpu.sync_copy(idx_h.at[pl.ds(base, per_w)], idx_u)
        pltpu.sync_copy(idx_h.at[pl.ds(B + base, per_w)], idx_p)
        pltpu.sync_copy(idx_h.at[pl.ds(2 * B + base, per_w)], idx_n)

        pltpu.async_copy(w2_h.at[idx_p.at[...]], st[0], sem_s)
        pltpu.async_copy(w2_h.at[idx_n.at[...]], st[1], sem_s)

        idxs = (idx_u, idx_p, idx_n)

        def issue_gather(g, bufs):
            s = pl.ds(g * CHUNK, CHUNK)
            for ix, b in zip(idxs, bufs):
                pltpu.async_copy(table_h.at[ix.at[s]], b, sem_g)

        def wait_gather(bufs):
            s0 = pl.ds(0, CHUNK)
            for ix, b in zip(idxs, bufs):
                pltpu.make_async_copy(table_h.at[ix.at[s0]], b, sem_g).wait()

        def issue_out(g, bufs):
            for j, b in enumerate(bufs):
                d = pl.ds(j * B + base + g * CHUNK, CHUNK)
                pltpu.async_copy(b, o_rows.at[d], sem_o)

        def wait_out(bufs):
            d = pl.ds(base, CHUNK)
            for b in bufs:
                pltpu.make_async_copy(b, o_rows.at[d], sem_o).wait()

        issue_gather(0, bufa)
        issue_gather(1, bufb)

        def pair(t, _):
            g0 = 2 * t
            g1 = 2 * t + 1
            wait_gather(bufa)
            issue_out(g0, bufa)
            wait_gather(bufb)
            issue_out(g1, bufb)
            wait_out(bufa)

            @pl.when(g0 + 2 < n_chunks)
            def _():
                issue_gather(g0 + 2, bufa)

            wait_out(bufb)

            @pl.when(g1 + 2 < n_chunks)
            def _():
                issue_gather(g1 + 2, bufb)

            return 0

        lax.fori_loop(0, n_chunks // 2, pair, 0)

        pltpu.make_async_copy(w2_h.at[idx_p.at[...]], st[0], sem_s).wait()
        pltpu.make_async_copy(w2_h.at[idx_n.at[...]], st[1], sem_s).wait()
        pltpu.sync_copy(st[0], o_w.at[pl.ds(base, per_w)])
        pltpu.sync_copy(st[1], o_w.at[pl.ds(B + base, per_w)])

    return k(idx_all, table, w2)


def _log_sigmoid(x):
    return jnp.minimum(x, 0.0) - jnp.log1p(jnp.exp(-jnp.abs(x)))


def _softplus(x):
    return jnp.maximum(x, 0.0) + jnp.log1p(jnp.exp(-jnp.abs(x)))


def _loss_body(inv_b, u_ref, p_ref, n_ref, wp_ref, wn_ref, m_ref, o_ref):
    u = u_ref[...]
    p = p_ref[...]
    n = n_ref[...]
    pi = jnp.sum(u[:, :EMBED] * p[:, :EMBED], axis=1)
    ni = jnp.sum(u[:, :EMBED] * n[:, :EMBED], axis=1)
    pp = jnp.sum(u[:, EMBED:] * p[:, EMBED:], axis=1)
    np_ = jnp.sum(u[:, EMBED:] * n[:, EMBED:], axis=1)
    m = m_ref[...]
    loss_int = -jnp.sum(m * _log_sigmoid(pi - ni))
    loss_pop = -(jnp.sum(m * _log_sigmoid(np_ - pp))
                 + jnp.sum((1.0 - m) * _log_sigmoid(pp - np_)))
    p_tide = wp_ref[...] * (pi + pp)
    n_tide = wn_ref[...] * (ni + np_)
    loss_tide = -jnp.sum(_log_sigmoid(p_tide - n_tide))
    part = (0.1 * loss_int + 0.1 * loss_pop + 0.2 * loss_tide) * inv_b

    @pl.when(pl.program_id(0) == 0)
    def _():
        o_ref[...] = jnp.zeros((1, 1), jnp.float32)

    o_ref[...] += jnp.reshape(part, (1, 1))


def _loss_tc(rows, wvec, maskf, bh, inv_b):
    nb = bh // TILE
    row_spec = lambda off: pl.BlockSpec((TILE, COMB), lambda i: (i + off, 0))
    vec_spec = lambda off: pl.BlockSpec((TILE,), lambda i: (i + off,))
    return pl.pallas_call(
        functools.partial(_loss_body, inv_b),
        grid=(nb,),
        in_specs=[row_spec(0), row_spec(nb), row_spec(2 * nb),
                  vec_spec(0), vec_spec(nb), vec_spec(0)],
        out_specs=pl.BlockSpec((1, 1), lambda i: (0, 0)),
        out_shape=jax.ShapeDtypeStruct((1, 1), jnp.float32),
    )(rows, rows, rows, wvec, wvec, maskf)


def kernel(user, item_p, item_n, mask, users_int, users_pop, items_int, items_pop, q, b):
    B = user.size
    H = B // 2
    n_items = items_int.shape[0]
    u = user.reshape(-1)
    p = item_p.reshape(-1) + n_items
    n = item_n.reshape(-1) + n_items
    table = jnp.concatenate(
        [jnp.concatenate([users_int, users_pop], axis=1),
         jnp.concatenate([items_int, items_pop], axis=1)], axis=0)
    w = jnp.tanh(_softplus(q) + _softplus(b))
    w2 = jnp.concatenate([w, w])
    maskf = mask.reshape(-1).astype(jnp.float32)
    loss = 0.0
    for s in (slice(0, H), slice(H, B)):
        idx_h = jnp.concatenate([u[s], p[s], n[s]])
        rows, wvec = _sc_gather(idx_h, H, table, w2)
        loss = loss + _loss_tc(rows, wvec, maskf[s], H, 1.0 / B)
    return loss.reshape(())

# --- scband reference (transcript-rebuilt; emitter-appended) ---
"""Pipeline reference for scband-tdic-89550068122384 (READ-ONLY COPY).

The authoritative reference and input builder live on the scoring server;
editing this copy changes nothing except your own understanding.
"""

import jax, jax.numpy as jnp
import numpy as np

NUM_USERS = 100000
NUM_ITEMS = 100000
EMBED = 64
INT_W = 0.1
POP_W = 0.1
TIDE_W = 0.2


def setup_inputs(seed: int = 0) -> dict:
    key = jax.random.key(seed)
    ks = jax.random.split(key, 10)
    stdv = 1.0 / np.sqrt(EMBED)
    user = jax.random.randint(ks[0], (4096, 20), 0, NUM_USERS, dtype=jnp.int32)
    item_p = jax.random.randint(ks[1], (4096, 20), 0, NUM_ITEMS, dtype=jnp.int32)
    item_n = jax.random.randint(ks[2], (4096, 20), 0, NUM_ITEMS, dtype=jnp.int32)
    mask = jax.random.randint(ks[3], (4096, 20), 0, 2, dtype=jnp.int32).astype(bool)
    users_int = jax.random.uniform(ks[4], (NUM_USERS, EMBED), minval=-stdv, maxval=stdv, dtype=jnp.float32)
    users_pop = jax.random.uniform(ks[5], (NUM_USERS, EMBED), minval=-stdv, maxval=stdv, dtype=jnp.float32)
    items_int = jax.random.uniform(ks[6], (NUM_ITEMS, EMBED), minval=-stdv, maxval=stdv, dtype=jnp.float32)
    items_pop = jax.random.uniform(ks[7], (NUM_ITEMS, EMBED), minval=-stdv, maxval=stdv, dtype=jnp.float32)
    q = jax.random.uniform(ks[8], (NUM_ITEMS,), dtype=jnp.float32)
    b = jax.random.uniform(ks[9], (NUM_ITEMS,), dtype=jnp.float32)
    return {
        'user': user, 'item_p': item_p, 'item_n': item_n, 'mask': mask,
        'users_int': users_int, 'users_pop': users_pop,
        'items_int': items_int, 'items_pop': items_pop,
        'q': q, 'b': b,
    }


def _mask_bpr_loss(p_score, n_score, mask):
    return -jnp.mean(mask.astype(p_score.dtype) * jnp.log(jax.nn.sigmoid(p_score - n_score)))


def _bpr_loss(p_score, n_score):
    return -jnp.mean(jnp.log(jax.nn.sigmoid(p_score - n_score)))


def reference(user, item_p, item_n, mask, users_int, users_pop, items_int, items_pop, q, b):
    u_int = jnp.take(users_int, user, axis=0)
    u_pop = jnp.take(users_pop, user, axis=0)
    ip_int = jnp.take(items_int, item_p, axis=0)
    ip_pop = jnp.take(items_pop, item_p, axis=0)
    in_int = jnp.take(items_int, item_n, axis=0)
    in_pop = jnp.take(items_pop, item_n, axis=0)

    p_score_int = jnp.sum(u_int * ip_int, axis=2)
    n_score_int = jnp.sum(u_int * in_int, axis=2)
    p_score_pop = jnp.sum(u_pop * ip_pop, axis=2)
    n_score_pop = jnp.sum(u_pop * in_pop, axis=2)
    p_score_total = p_score_int + p_score_pop
    n_score_total = n_score_int + n_score_pop

    loss_int = _mask_bpr_loss(p_score_int, n_score_int, mask)
    loss_pop = _mask_bpr_loss(n_score_pop, p_score_pop, mask) + _mask_bpr_loss(p_score_pop, n_score_pop, jnp.logical_not(mask))

    pop_p = jax.nn.softplus(jnp.take(q, item_p, axis=0)) + jax.nn.softplus(jnp.take(b, item_p, axis=0))
    pop_n = jax.nn.softplus(jnp.take(q, item_n, axis=0)) + jax.nn.softplus(jnp.take(b, item_n, axis=0))
    p_score_tide = jnp.tanh(pop_p) * p_score_total
    n_score_tide = jnp.tanh(pop_n) * n_score_total
    loss_tide = _bpr_loss(p_score_tide, n_score_tide)

    loss = INT_W * loss_int + POP_W * loss_pop + TIDE_W * loss_tide
    return loss

if __name__ == "__main__":
    import jax
    _d = setup_inputs()
    print(jax.jit(kernel)(*tuple(_d.values())))

</pallas_src>

<mosaic_0001>
#map = affine_map<(d0, d1) -> (0)>
#map1 = affine_map<(d0, d1) -> (0, 0)>
module attributes {stable_mosaic.version = 14 : i64} {
  func.func @k(%arg0: i32, %arg1: i32, %arg2: memref<122880xi32, #tpu.memory_space<hbm>>, %arg3: memref<200000x128xf32, #tpu.memory_space<hbm>>, %arg4: memref<200000xf32, #tpu.memory_space<hbm>>, %arg5: memref<122880x128xf32, #tpu.memory_space<hbm>>, %arg6: memref<81920xf32, #tpu.memory_space<hbm>>, %arg7: memref<1280xi32, #tpu.memory_space<vmem>>, %arg8: memref<1280xi32, #tpu.memory_space<vmem>>, %arg9: memref<1280xi32, #tpu.memory_space<vmem>>, %arg10: memref<128x128xf32, #tpu.memory_space<vmem>>, %arg11: memref<128x128xf32, #tpu.memory_space<vmem>>, %arg12: memref<128x128xf32, #tpu.memory_space<vmem>>, %arg13: memref<128x128xf32, #tpu.memory_space<vmem>>, %arg14: memref<128x128xf32, #tpu.memory_space<vmem>>, %arg15: memref<128x128xf32, #tpu.memory_space<vmem>>, %arg16: memref<1280xf32, #tpu.memory_space<vmem>>, %arg17: memref<1280xf32, #tpu.memory_space<vmem>>, %arg18: memref<!tpu.dma_semaphore, #tpu.memory_space<semaphore_mem>>, %arg19: memref<!tpu.dma_semaphore, #tpu.memory_space<semaphore_mem>>, %arg20: memref<!tpu.dma_semaphore, #tpu.memory_space<semaphore_mem>>) attributes {dimension_semantics = [#tpu.dimension_semantics<core_parallel>, #tpu.dimension_semantics<subcore_parallel>], iteration_bounds = array<i64: 2, 16>, scalar_prefetch = 0 : i64, scratch_operands = 14 : i64, tpu.core_type = #tpu.core_type<sc_vector_subcore>, window_params = [{transform_indices = #map}, {transform_indices = #map1}, {transform_indices = #map}, {transform_indices = #map1}, {transform_indices = #map}]} {
    %mul3A = arith.constant 2 : i32
    %mul3A_0 = arith.muli %arg1, %mul3A : i32
    %add3A = arith.addi %mul3A_0, %arg0 : i32
    %mul3A_1 = arith.constant 1280 : i32
    %mul3A_2 = arith.muli %add3A, %mul3A_1 : i32
    "tpu.region"() ({
      %run_scoped3A = tpu.sem_alloc : memref<!tpu.dma_semaphore, #tpu.memory_space<semaphore_mem>>
      %dma_start3A_59 = tpu.memref_slice %arg2[%mul3A_2] : memref<122880xi32, #tpu.memory_space<hbm>> -> memref<1280xi32, #tpu.memory_space<hbm>>
      %dma_start3A_60 = tpu.memref_slice %arg2[%mul3A_2] : memref<122880xi32, #tpu.memory_space<hbm>> -> memref<1280xi32, #tpu.memory_space<hbm>>
      tpu.enqueue_dma source(%dma_start3A_60 : memref<1280xi32, #tpu.memory_space<hbm>>) target(%arg7 : memref<1280xi32, #tpu.memory_space<vmem>>) target_semaphore(%run_scoped3A : memref<!tpu.dma_semaphore, #tpu.memory_space<semaphore_mem>>)
      %dma_wait3A_61 = tpu.memref_slice %arg2[%mul3A_2] : memref<122880xi32, #tpu.memory_space<hbm>> -> memref<1280xi32, #tpu.memory_space<hbm>>
      %dma_wait3A_62 = tpu.memref_slice %arg2[%mul3A_2] : memref<122880xi32, #tpu.memory_space<hbm>> -> memref<1280xi32, #tpu.memory_space<hbm>>
      tpu.wait_dma2 semaphore(%run_scoped3A : memref<!tpu.dma_semaphore, #tpu.memory_space<semaphore_mem>>) src(%dma_wait3A_62 : memref<1280xi32, #tpu.memory_space<hbm>>) dst(%arg7 : memref<1280xi32, #tpu.memory_space<vmem>>)
      tpu.yield
    }) : () -> ()
    %add3A_3 = arith.constant 40960 : i32
    %add3A_4 = arith.addi %add3A_3, %mul3A_2 : i32
    "tpu.region"() ({
      %run_scoped3A = tpu.sem_alloc : memref<!tpu.dma_semaphore, #tpu.memory_space<semaphore_mem>>
      %dma_start3A_59 = tpu.memref_slice %arg2[%add3A_4] : memref<122880xi32, #tpu.memory_space<hbm>> -> memref<1280xi32, #tpu.memory_space<hbm>>
      %dma_start3A_60 = tpu.memref_slice %arg2[%add3A_4] : memref<122880xi32, #tpu.memory_space<hbm>> -> memref<1280xi32, #tpu.memory_space<hbm>>
      tpu.enqueue_dma source(%dma_start3A_60 : memref<1280xi32, #tpu.memory_space<hbm>>) target(%arg8 : memref<1280xi32, #tpu.memory_space<vmem>>) target_semaphore(%run_scoped3A : memref<!tpu.dma_semaphore, #tpu.memory_space<semaphore_mem>>)
      %dma_wait3A_61 = tpu.memref_slice %arg2[%add3A_4] : memref<122880xi32, #tpu.memory_space<hbm>> -> memref<1280xi32, #tpu.memory_space<hbm>>
      %dma_wait3A_62 = tpu.memref_slice %arg2[%add3A_4] : memref<122880xi32, #tpu.memory_space<hbm>> -> memref<1280xi32, #tpu.memory_space<hbm>>
      tpu.wait_dma2 semaphore(%run_scoped3A : memref<!tpu.dma_semaphore, #tpu.memory_space<semaphore_mem>>) src(%dma_wait3A_62 : memref<1280xi32, #tpu.memory_space<hbm>>) dst(%arg8 : memref<1280xi32, #tpu.memory_space<vmem>>)
      tpu.yield
    }) : () -> ()
    %add3A_5 = arith.constant 81920 : i32
    %add3A_6 = arith.addi %add3A_5, %mul3A_2 : i32
    "tpu.region"() ({
      %run_scoped3A = tpu.sem_alloc : memref<!tpu.dma_semaphore, #tpu.memory_space<semaphore_mem>>
      %dma_start3A_59 = tpu.memref_slice %arg2[%add3A_6] : memref<122880xi32, #tpu.memory_space<hbm>> -> memref<1280xi32, #tpu.memory_space<hbm>>
      %dma_start3A_60 = tpu.memref_slice %arg2[%add3A_6] : memref<122880xi32, #tpu.memory_space<hbm>> -> memref<1280xi32, #tpu.memory_space<hbm>>
      tpu.enqueue_dma source(%dma_start3A_60 : memref<1280xi32, #tpu.memory_space<hbm>>) target(%arg9 : memref<1280xi32, #tpu.memory_space<vmem>>) target_semaphore(%run_scoped3A : memref<!tpu.dma_semaphore, #tpu.memory_space<semaphore_mem>>)
      %dma_wait3A_61 = tpu.memref_slice %arg2[%add3A_6] : memref<122880xi32, #tpu.memory_space<hbm>> -> memref<1280xi32, #tpu.memory_space<hbm>>
      %dma_wait3A_62 = tpu.memref_slice %arg2[%add3A_6] : memref<122880xi32, #tpu.memory_space<hbm>> -> memref<1280xi32, #tpu.memory_space<hbm>>
      tpu.wait_dma2 semaphore(%run_scoped3A : memref<!tpu.dma_semaphore, #tpu.memory_space<semaphore_mem>>) src(%dma_wait3A_62 : memref<1280xi32, #tpu.memory_space<hbm>>) dst(%arg9 : memref<1280xi32, #tpu.memory_space<vmem>>)
      tpu.yield
    }) : () -> ()
    %dma_start3A = arith.constant 0 : i32
    %dma_start3A_7 = tpu.memref_slice %arg8[%dma_start3A] : memref<1280xi32, #tpu.memory_space<vmem>> -> memref<1280xi32, #tpu.memory_space<vmem>>
    %dma_start3A_8 = arith.constant 0 : i32
    %dma_start3A_9 = tpu.memref_slice %arg4[%dma_start3A_8] : memref<200000xf32, #tpu.memory_space<hbm>> -> memref<200000xf32, #tpu.memory_space<hbm>>
    tpu.enqueue_indirect_dma source(%dma_start3A_9 : memref<200000xf32, #tpu.memory_space<hbm>>) target(%arg16 : memref<1280xf32, #tpu.memory_space<vmem>>) offsets(%dma_start3A_7 : memref<1280xi32, #tpu.memory_space<vmem>>) semaphore(%arg20 : memref<!tpu.dma_semaphore, #tpu.memory_space<semaphore_mem>>)
    %dma_start3A_10 = arith.constant 0 : i32
    %dma_start3A_11 = tpu.memref_slice %arg9[%dma_start3A_10] : memref<1280xi32, #tpu.memory_space<vmem>> -> memref<1280xi32, #tpu.memory_space<vmem>>
    %dma_start3A_12 = arith.constant 0 : i32
    %dma_start3A_13 = tpu.memref_slice %arg4[%dma_start3A_12] : memref<200000xf32, #tpu.memory_space<hbm>> -> memref<200000xf32, #tpu.memory_space<hbm>>
    tpu.enqueue_indirect_dma source(%dma_start3A_13 : memref<200000xf32, #tpu.memory_space<hbm>>) target(%arg17 : memref<1280xf32, #tpu.memory_space<vmem>>) offsets(%dma_start3A_11 : memref<1280xi32, #tpu.memory_space<vmem>>) semaphore(%arg20 : memref<!tpu.dma_semaphore, #tpu.memory_space<semaphore_mem>>)
    %dma_start3A_14 = arith.constant 0 : i32
    %dma_start3A_15 = tpu.memref_slice %arg7[%dma_start3A_14] : memref<1280xi32, #tpu.memory_space<vmem>> -> memref<128xi32, #tpu.memory_space<vmem>>
    %dma_start3A_16 = arith.constant 0 : i32
    %dma_start3A_17 = arith.constant 0 : i32
    %dma_start3A_18 = tpu.memref_slice %arg3[%dma_start3A_16, %dma_start3A_17] : memref<200000x128xf32, #tpu.memory_space<hbm>> -> memref<200000x128xf32, #tpu.memory_space<hbm>>
    tpu.enqueue_indirect_dma source(%dma_start3A_18 : memref<200000x128xf32, #tpu.memory_space<hbm>>) target(%arg10 : memref<128x128xf32, #tpu.memory_space<vmem>>) offsets(%dma_start3A_15 : memref<128xi32, #tpu.memory_space<vmem>>) semaphore(%arg18 : memref<!tpu.dma_semaphore, #tpu.memory_space<semaphore_mem>>)
    %dma_start3A_19 = arith.constant 0 : i32
    %dma_start3A_20 = tpu.memref_slice %arg8[%dma_start3A_19] : memref<1280xi32, #tpu.memory_space<vmem>> -> memref<128xi32, #tpu.memory_space<vmem>>
    %dma_start3A_21 = arith.constant 0 : i32
    %dma_start3A_22 = arith.constant 0 : i32
    %dma_start3A_23 = tpu.memref_slice %arg3[%dma_start3A_21, %dma_start3A_22] : memref<200000x128xf32, #tpu.memory_space<hbm>> -> memref<200000x128xf32, #tpu.memory_space<hbm>>
    tpu.enqueue_indirect_dma source(%dma_start3A_23 : memref<200000x128xf32, #tpu.memory_space<hbm>>) target(%arg11 : memref<128x128xf32, #tpu.memory_space<vmem>>) offsets(%dma_start3A_20 : memref<128xi32, #tpu.memory_space<vmem>>) semaphore(%arg18 : memref<!tpu.dma_semaphore, #tpu.memory_space<semaphore_mem>>)
    %dma_start3A_24 = arith.constant 0 : i32
    %dma_start3A_25 = tpu.memref_slice %arg9[%dma_start3A_24] : memref<1280xi32, #tpu.memory_space<vmem>> -> memref<128xi32, #tpu.memory_space<vmem>>
    %dma_start3A_26 = arith.constant 0 : i32
    %dma_start3A_27 = arith.constant 0 : i32
    %dma_start3A_28 = tpu.memref_slice %arg3[%dma_start3A_26, %dma_start3A_27] : memref<200000x128xf32, #tpu.memory_space<hbm>> -> memref<200000x128xf32, #tpu.memory_space<hbm>>
    tpu.enqueue_indirect_dma source(%dma_start3A_28 : memref<200000x128xf32, #tpu.memory_space<hbm>>) target(%arg12 : memref<128x128xf32, #tpu.memory_space<vmem>>) offsets(%dma_start3A_25 : memref<128xi32, #tpu.memory_space<vmem>>) semaphore(%arg18 : memref<!tpu.dma_semaphore, #tpu.memory_space<semaphore_mem>>)
    %dma_start3A_29 = arith.constant 128 : i32
    %dma_start3A_30 = tpu.memref_slice %arg7[%dma_start3A_29] : memref<1280xi32, #tpu.memory_space<vmem>> -> memref<128xi32, #tpu.memory_space<vmem>>
    %dma_start3A_31 = arith.constant 0 : i32
    %dma_start3A_32 = arith.constant 0 : i32
    %dma_start3A_33 = tpu.memref_slice %arg3[%dma_start3A_31, %dma_start3A_32] : memref<200000x128xf32, #tpu.memory_space<hbm>> -> memref<200000x128xf32, #tpu.memory_space<hbm>>
    tpu.enqueue_indirect_dma source(%dma_start3A_33 : memref<200000x128xf32, #tpu.memory_space<hbm>>) target(%arg13 : memref<128x128xf32, #tpu.memory_space<vmem>>) offsets(%dma_start3A_30 : memref<128xi32, #tpu.memory_space<vmem>>) semaphore(%arg18 : memref<!tpu.dma_semaphore, #tpu.memory_space<semaphore_mem>>)
    %dma_start3A_34 = arith.constant 128 : i32
    %dma_start3A_35 = tpu.memref_slice %arg8[%dma_start3A_34] : memref<1280xi32, #tpu.memory_space<vmem>> -> memref<128xi32, #tpu.memory_space<vmem>>
    %dma_start3A_36 = arith.constant 0 : i32
    %dma_start3A_37 = arith.constant 0 : i32
    %dma_start3A_38 = tpu.memref_slice %arg3[%dma_start3A_36, %dma_start3A_37] : memref<200000x128xf32, #tpu.memory_space<hbm>> -> memref<200000x128xf32, #tpu.memory_space<hbm>>
    tpu.enqueue_indirect_dma source(%dma_start3A_38 : memref<200000x128xf32, #tpu.memory_space<hbm>>) target(%arg14 : memref<128x128xf32, #tpu.memory_space<vmem>>) offsets(%dma_start3A_35 : memref<128xi32, #tpu.memory_space<vmem>>) semaphore(%arg18 : memref<!tpu.dma_semaphore, #tpu.memory_space<semaphore_mem>>)
    %dma_start3A_39 = arith.constant 128 : i32
    %dma_start3A_40 = tpu.memref_slice %arg9[%dma_start3A_39] : memref<1280xi32, #tpu.memory_space<vmem>> -> memref<128xi32, #tpu.memory_space<vmem>>
    %dma_start3A_41 = arith.constant 0 : i32
    %dma_start3A_42 = arith.constant 0 : i32
    %dma_start3A_43 = tpu.memref_slice %arg3[%dma_start3A_41, %dma_start3A_42] : memref<200000x128xf32, #tpu.memory_space<hbm>> -> memref<200000x128xf32, #tpu.memory_space<hbm>>
    tpu.enqueue_indirect_dma source(%dma_start3A_43 : memref<200000x128xf32, #tpu.memory_space<hbm>>) target(%arg15 : memref<128x128xf32, #tpu.memory_space<vmem>>) offsets(%dma_start3A_40 : memref<128xi32, #tpu.memory_space<vmem>>) semaphore(%arg18 : memref<!tpu.dma_semaphore, #tpu.memory_space<semaphore_mem>>)
    %scan3A = arith.constant 0 : i32
    %scan3A_44 = arith.constant 0 : i32
    %scan3A_45 = arith.constant 5 : i32
    %scan3A_46 = arith.addi %scan3A_44, %scan3A_45 : i32
    %scan3A_47 = arith.constant 1 : i32
    %scan3A_48 = scf.for %scan3A_59 = %scan3A_44 to %scan3A_46 step %scan3A_47 iter_args(%scan3A_60 = %scan3A) -> (i32)  : i32 {
      %mul3A_61 = arith.constant 2 : i32
      %mul3A_62 = arith.muli %mul3A_61, %scan3A_59 : i32
      %mul3A_63 = arith.constant 2 : i32
      %mul3A_64 = arith.muli %mul3A_63, %scan3A_59 : i32
      %add3A_65 = arith.constant 1 : i32
      %add3A_66 = arith.addi %mul3A_64, %add3A_65 : i32
      %dma_wait3A_67 = arith.constant 0 : i32
      %dma_wait3A_68 = tpu.memref_slice %arg7[%dma_wait3A_67] : memref<1280xi32, #tpu.memory_space<vmem>> -> memref<128xi32, #tpu.memory_space<vmem>>
      %dma_wait3A_69 = arith.constant 0 : i32
      %dma_wait3A_70 = arith.constant 0 : i32
      %dma_wait3A_71 = tpu.memref_slice %arg3[%dma_wait3A_69, %dma_wait3A_70] : memref<200000x128xf32, #tpu.memory_space<hbm>> -> memref<200000x128xf32, #tpu.memory_space<hbm>>
      tpu.wait_indirect_dma semaphore(%arg18 : memref<!tpu.dma_semaphore, #tpu.memory_space<semaphore_mem>>) src(%dma_wait3A_71 : memref<200000x128xf32, #tpu.memory_space<hbm>>) dst(%arg10 : memref<128x128xf32, #tpu.memory_space<vmem>>)
      %dma_wait3A_72 = arith.constant 0 : i32
      %dma_wait3A_73 = tpu.memref_slice %arg8[%dma_wait3A_72] : memref<1280xi32, #tpu.memory_space<vmem>> -> memref<128xi32, #tpu.memory_space<vmem>>
      %dma_wait3A_74 = arith.constant 0 : i32
      %dma_wait3A_75 = arith.constant 0 : i32
      %dma_wait3A_76 = tpu.memref_slice %arg3[%dma_wait3A_74, %dma_wait3A_75] : memref<200000x128xf32, #tpu.memory_space<hbm>> -> memref<200000x128xf32, #tpu.memory_space<hbm>>
      tpu.wait_indirect_dma semaphore(%arg18 : memref<!tpu.dma_semaphore, #tpu.memory_space<semaphore_mem>>) src(%dma_wait3A_76 : memref<200000x128xf32, #tpu.memory_space<hbm>>) dst(%arg11 : memref<128x128xf32, #tpu.memory_space<vmem>>)
      %dma_wait3A_77 = arith.constant 0 : i32
      %dma_wait3A_78 = tpu.memref_slice %arg9[%dma_wait3A_77] : memref<1280xi32, #tpu.memory_space<vmem>> -> memref<128xi32, #tpu.memory_space<vmem>>
      %dma_wait3A_79 = arith.constant 0 : i32
      %dma_wait3A_80 = arith.constant 0 : i32
      %dma_wait3A_81 = tpu.memref_slice %arg3[%dma_wait3A_79, %dma_wait3A_80] : memref<200000x128xf32, #tpu.memory_space<hbm>> -> memref<200000x128xf32, #tpu.memory_space<hbm>>
      tpu.wait_indirect_dma semaphore(%arg18 : memref<!tpu.dma_semaphore, #tpu.memory_space<semaphore_mem>>) src(%dma_wait3A_81 : memref<200000x128xf32, #tpu.memory_space<hbm>>) dst(%arg12 : memref<128x128xf32, #tpu.memory_space<vmem>>)
      %add3A_82 = arith.constant 0 : i32
      %add3A_83 = arith.addi %add3A_82, %mul3A_2 : i32
      %mul3A_84 = arith.constant 128 : i32
      %mul3A_85 = arith.muli %mul3A_62, %mul3A_84 : i32
      %add3A_86 = arith.addi %add3A_83, %mul3A_85 : i32
      %dma_start3A_87 = arith.constant 0 : i32
      %dma_start3A_88 = tpu.memref_slice %arg5[%add3A_86, %dma_start3A_87] : memref<122880x128xf32, #tpu.memory_space<hbm>> -> memref<128x128xf32, #tpu.memory_space<hbm>>
      %dma_start3A_89 = arith.constant 0 : i32
      %dma_start3A_90 = tpu.memref_slice %arg5[%add3A_86, %dma_start3A_89] : memref<122880x128xf32, #tpu.memory_space<hbm>> -> memref<128x128xf32, #tpu.memory_space<hbm>>
      tpu.enqueue_dma source(%arg10 : memref<128x128xf32, #tpu.memory_space<vmem>>) target(%dma_start3A_90 : memref<128x128xf32, #tpu.memory_space<hbm>>) target_semaphore(%arg19 : memref<!tpu.dma_semaphore, #tpu.memory_space<semaphore_mem>>)
      %add3A_91 = arith.constant 40960 : i32
      %add3A_92 = arith.addi %add3A_91, %mul3A_2 : i32
      %mul3A_93 = arith.constant 128 : i32
      %mul3A_94 = arith.muli %mul3A_62, %mul3A_93 : i32
      %add3A_95 = arith.addi %add3A_92, %mul3A_94 : i32
      %dma_start3A_96 = arith.constant 0 : i32
      %dma_start3A_97 = tpu.memref_slice %arg5[%add3A_95, %dma_start3A_96] : memref<122880x128xf32, #tpu.memory_space<hbm>> -> memref<128x128xf32, #tpu.memory_space<hbm>>
      %dma_start3A_98 = arith.constant 0 : i32
      %dma_start3A_99 = tpu.memref_slice %arg5[%add3A_95, %dma_start3A_98] : memref<122880x128xf32, #tpu.memory_space<hbm>> -> memref<128x128xf32, #tpu.memory_space<hbm>>
      tpu.enqueue_dma source(%arg11 : memref<128x128xf32, #tpu.memory_space<vmem>>) target(%dma_start3A_99 : memref<128x128xf32, #tpu.memory_space<hbm>>) target_semaphore(%arg19 : memref<!tpu.dma_semaphore, #tpu.memory_space<semaphore_mem>>)
      %add3A_100 = arith.constant 81920 : i32
      %add3A_101 = arith.addi %add3A_100, %mul3A_2 : i32
      %mul3A_102 = arith.constant 128 : i32
      %mul3A_103 = arith.muli %mul3A_62, %mul3A_102 : i32
      %add3A_104 = arith.addi %add3A_101, %mul3A_103 : i32
      %dma_start3A_105 = arith.constant 0 : i32
      %dma_start3A_106 = tpu.memref_slice %arg5[%add3A_104, %dma_start3A_105] : memref<122880x128xf32, #tpu.memory_space<hbm>> -> memref<128x128xf32, #tpu.memory_space<hbm>>
      %dma_start3A_107 = arith.constant 0 : i32
      %dma_start3A_108 = tpu.memref_slice %arg5[%add3A_104, %dma_start3A_107] : memref<122880x128xf32, #tpu.memory_space<hbm>> -> memref<128x128xf32, #tpu.memory_space<hbm>>
      tpu.enqueue_dma source(%arg12 : memref<128x128xf32, #tpu.memory_space<vmem>>) target(%dma_start3A_108 : memref<128x128xf32, #tpu.memory_space<hbm>>) target_semaphore(%arg19 : memref<!tpu.dma_semaphore, #tpu.memory_space<semaphore_mem>>)
      %dma_wait3A_109 = arith.constant 0 : i32
      %dma_wait3A_110 = tpu.memref_slice %arg7[%dma_wait3A_109] : memref<1280xi32, #tpu.memory_space<vmem>> -> memref<128xi32, #tpu.memory_space<vmem>>
      %dma_wait3A_111 = arith.constant 0 : i32
      %dma_wait3A_112 = arith.constant 0 : i32
      %dma_wait3A_113 = tpu.memref_slice %arg3[%dma_wait3A_111, %dma_wait3A_112] : memref<200000x128xf32, #tpu.memory_space<hbm>> -> memref<200000x128xf32, #tpu.memory_space<hbm>>
      tpu.wait_indirect_dma semaphore(%arg18 : memref<!tpu.dma_semaphore, #tpu.memory_space<semaphore_mem>>) src(%dma_wait3A_113 : memref<200000x128xf32, #tpu.memory_space<hbm>>) dst(%arg13 : memref<128x128xf32, #tpu.memory_space<vmem>>)
      %dma_wait3A_114 = arith.constant 0 : i32
      %dma_wait3A_115 = tpu.memref_slice %arg8[%dma_wait3A_114] : memref<1280xi32, #tpu.memory_space<vmem>> -> memref<128xi32, #tpu.memory_space<vmem>>
      %dma_wait3A_116 = arith.constant 0 : i32
      %dma_wait3A_117 = arith.constant 0 : i32
      %dma_wait3A_118 = tpu.memref_slice %arg3[%dma_wait3A_116, %dma_wait3A_117] : memref<200000x128xf32, #tpu.memory_space<hbm>> -> memref<200000x128xf32, #tpu.memory_space<hbm>>
      tpu.wait_indirect_dma semaphore(%arg18 : memref<!tpu.dma_semaphore, #tpu.memory_space<semaphore_mem>>) src(%dma_wait3A_118 : memref<200000x128xf32, #tpu.memory_space<hbm>>) dst(%arg14 : memref<128x128xf32, #tpu.memory_space<vmem>>)
      %dma_wait3A_119 = arith.constant 0 : i32
      %dma_wait3A_120 = tpu.memref_slice %arg9[%dma_wait3A_119] : memref<1280xi32, #tpu.memory_space<vmem>> -> memref<128xi32, #tpu.memory_space<vmem>>
      %dma_wait3A_121 = arith.constant 0 : i32
      %dma_wait3A_122 = arith.constant 0 : i32
      %dma_wait3A_123 = tpu.memref_slice %arg3[%dma_wait3A_121, %dma_wait3A_122] : memref<200000x128xf32, #tpu.memory_space<hbm>> -> memref<200000x128xf32, #tpu.memory_space<hbm>>
      tpu.wait_indirect_dma semaphore(%arg18 : memref<!tpu.dma_semaphore, #tpu.memory_space<semaphore_mem>>) src(%dma_wait3A_123 : memref<200000x128xf32, #tpu.memory_space<hbm>>) dst(%arg15 : memref<128x128xf32, #tpu.memory_space<vmem>>)
      %add3A_124 = arith.constant 0 : i32
      %add3A_125 = arith.addi %add3A_124, %mul3A_2 : i32
      %mul3A_126 = arith.constant 128 : i32
      %mul3A_127 = arith.muli %add3A_66, %mul3A_126 : i32
      %add3A_128 = arith.addi %add3A_125, %mul3A_127 : i32
      %dma_start3A_129 = arith.constant 0 : i32
      %dma_start3A_130 = tpu.memref_slice %arg5[%add3A_128, %dma_start3A_129] : memref<122880x128xf32, #tpu.memory_space<hbm>> -> memref<128x128xf32, #tpu.memory_space<hbm>>
      %dma_start3A_131 = arith.constant 0 : i32
      %dma_start3A_132 = tpu.memref_slice %arg5[%add3A_128, %dma_start3A_131] : memref<122880x128xf32, #tpu.memory_space<hbm>> -> memref<128x128xf32, #tpu.memory_space<hbm>>
      tpu.enqueue_dma source(%arg13 : memref<128x128xf32, #tpu.memory_space<vmem>>) target(%dma_start3A_132 : memref<128x128xf32, #tpu.memory_space<hbm>>) target_semaphore(%arg19 : memref<!tpu.dma_semaphore, #tpu.memory_space<semaphore_mem>>)
      %add3A_133 = arith.constant 40960 : i32
      %add3A_134 = arith.addi %add3A_133, %mul3A_2 : i32
      %mul3A_135 = arith.constant 128 : i32
      %mul3A_136 = arith.muli %add3A_66, %mul3A_135 : i32
      %add3A_137 = arith.addi %add3A_134, %mul3A_136 : i32
      %dma_start3A_138 = arith.constant 0 : i32
      %dma_start3A_139 = tpu.memref_slice %arg5[%add3A_137, %dma_start3A_138] : memref<122880x128xf32, #tpu.memory_space<hbm>> -> memref<128x128xf32, #tpu.memory_space<hbm>>
      %dma_start3A_140 = arith.constant 0 : i32
      %dma_start3A_141 = tpu.memref_slice %arg5[%add3A_137, %dma_start3A_140] : memref<122880x128xf32, #tpu.memory_space<hbm>> -> memref<128x128xf32, #tpu.memory_space<hbm>>
      tpu.enqueue_dma source(%arg14 : memref<128x128xf32, #tpu.memory_space<vmem>>) target(%dma_start3A_141 : memref<128x128xf32, #tpu.memory_space<hbm>>) target_semaphore(%arg19 : memref<!tpu.dma_semaphore, #tpu.memory_space<semaphore_mem>>)
      %add3A_142 = arith.constant 81920 : i32
      %add3A_143 = arith.addi %add3A_142, %mul3A_2 : i32
      %mul3A_144 = arith.constant 128 : i32
      %mul3A_145 = arith.muli %add3A_66, %mul3A_144 : i32
      %add3A_146 = arith.addi %add3A_143, %mul3A_145 : i32
      %dma_start3A_147 = arith.constant 0 : i32
      %dma_start3A_148 = tpu.memref_slice %arg5[%add3A_146, %dma_start3A_147] : memref<122880x128xf32, #tpu.memory_space<hbm>> -> memref<128x128xf32, #tpu.memory_space<hbm>>
      %dma_start3A_149 = arith.constant 0 : i32
      %dma_start3A_150 = tpu.memref_slice %arg5[%add3A_146, %dma_start3A_149] : memref<122880x128xf32, #tpu.memory_space<hbm>> -> memref<128x128xf32, #tpu.memory_space<hbm>>
      tpu.enqueue_dma source(%arg15 : memref<128x128xf32, #tpu.memory_space<vmem>>) target(%dma_start3A_150 : memref<128x128xf32, #tpu.memory_space<hbm>>) target_semaphore(%arg19 : memref<!tpu.dma_semaphore, #tpu.memory_space<semaphore_mem>>)
      %dma_wait3A_151 = arith.constant 0 : i32
      %dma_wait3A_152 = tpu.memref_slice %arg5[%mul3A_2, %dma_wait3A_151] : memref<122880x128xf32, #tpu.memory_space<hbm>> -> memref<128x128xf32, #tpu.memory_space<hbm>>
      %dma_wait3A_153 = arith.constant 0 : i32
      %dma_wait3A_154 = tpu.memref_slice %arg5[%mul3A_2, %dma_wait3A_153] : memref<122880x128xf32, #tpu.memory_space<hbm>> -> memref<128x128xf32, #tpu.memory_space<hbm>>
      tpu.wait_dma2 semaphore(%arg19 : memref<!tpu.dma_semaphore, #tpu.memory_space<semaphore_mem>>) src(%arg10 : memref<128x128xf32, #tpu.memory_space<vmem>>) dst(%dma_wait3A_154 : memref<128x128xf32, #tpu.memory_space<hbm>>)
      %dma_wait3A_155 = arith.constant 0 : i32
      %dma_wait3A_156 = tpu.memref_slice %arg5[%mul3A_2, %dma_wait3A_155] : memref<122880x128xf32, #tpu.memory_space<hbm>> -> memref<128x128xf32, #tpu.memory_space<hbm>>
      %dma_wait3A_157 = arith.constant 0 : i32
      %dma_wait3A_158 = tpu.memref_slice %arg5[%mul3A_2, %dma_wait3A_157] : memref<122880x128xf32, #tpu.memory_space<hbm>> -> memref<128x128xf32, #tpu.memory_space<hbm>>
      tpu.wait_dma2 semaphore(%arg19 : memref<!tpu.dma_semaphore, #tpu.memory_space<semaphore_mem>>) src(%arg11 : memref<128x128xf32, #tpu.memory_space<vmem>>) dst(%dma_wait3A_158 : memref<128x128xf32, #tpu.memory_space<hbm>>)
      %dma_wait3A_159 = arith.constant 0 : i32
      %dma_wait3A_160 = tpu.memref_slice %arg5[%mul3A_2, %dma_wait3A_159] : memref<122880x128xf32, #tpu.memory_space<hbm>> -> memref<128x128xf32, #tpu.memory_space<hbm>>
      %dma_wait3A_161 = arith.constant 0 : i32
      %dma_wait3A_162 = tpu.memref_slice %arg5[%mul3A_2, %dma_wait3A_161] : memref<122880x128xf32, #tpu.memory_space<hbm>> -> memref<128x128xf32, #tpu.memory_space<hbm>>
      tpu.wait_dma2 semaphore(%arg19 : memref<!tpu.dma_semaphore, #tpu.memory_space<semaphore_mem>>) src(%arg12 : memref<128x128xf32, #tpu.memory_space<vmem>>) dst(%dma_wait3A_162 : memref<128x128xf32, #tpu.memory_space<hbm>>)
      %add3A_163 = arith.constant 2 : i32
      %add3A_164 = arith.addi %mul3A_62, %add3A_163 : i32
      %lt3A = arith.constant 10 : i32
      %lt3A_165 = arith.cmpi slt, %add3A_164, %lt3A : i32
      %convert_element_type3A = arith.extui %lt3A_165 : i1 to i32
      %cond3A = arith.constant 0 : i32
      %cond3A_166 = arith.cmpi ne, %convert_element_type3A, %cond3A : i32
      scf.if %cond3A_166 {
        %add3A_187 = arith.constant 2 : i32
        %add3A_188 = arith.addi %mul3A_62, %add3A_187 : i32
        %mul3A_189 = arith.constant 128 : i32
        %mul3A_190 = arith.muli %add3A_188, %mul3A_189 : i32
        %dma_start3A_191 = tpu.memref_slice %arg7[%mul3A_190] : memref<1280xi32, #tpu.memory_space<vmem>> -> memref<128xi32, #tpu.memory_space<vmem>>
        %dma_start3A_192 = arith.constant 0 : i32
        %dma_start3A_193 = arith.constant 0 : i32
        %dma_start3A_194 = tpu.memref_slice %arg3[%dma_start3A_192, %dma_start3A_193] : memref<200000x128xf32, #tpu.memory_space<hbm>> -> memref<200000x128xf32, #tpu.memory_space<hbm>>
        tpu.enqueue_indirect_dma source(%dma_start3A_194 : memref<200000x128xf32, #tpu.memory_space<hbm>>) target(%arg10 : memref<128x128xf32, #tpu.memory_space<vmem>>) offsets(%dma_start3A_191 : memref<128xi32, #tpu.memory_space<vmem>>) semaphore(%arg18 : memref<!tpu.dma_semaphore, #tpu.memory_space<semaphore_mem>>)
        %dma_start3A_195 = tpu.memref_slice %arg8[%mul3A_190] : memref<1280xi32, #tpu.memory_space<vmem>> -> memref<128xi32, #tpu.memory_space<vmem>>
        %dma_start3A_196 = arith.constant 0 : i32
        %dma_start3A_197 = arith.constant 0 : i32
        %dma_start3A_198 = tpu.memref_slice %arg3[%dma_start3A_196, %dma_start3A_197] : memref<200000x128xf32, #tpu.memory_space<hbm>> -> memref<200000x128xf32, #tpu.memory_space<hbm>>
        tpu.enqueue_indirect_dma source(%dma_start3A_198 : memref<200000x128xf32, #tpu.memory_space<hbm>>) target(%arg11 : memref<128x128xf32, #tpu.memory_space<vmem>>) offsets(%dma_start3A_195 : memref<128xi32, #tpu.memory_space<vmem>>) semaphore(%arg18 : memref<!tpu.dma_semaphore, #tpu.memory_space<semaphore_mem>>)
        %dma_start3A_199 = tpu.memref_slice %arg9[%mul3A_190] : memref<1280xi32, #tpu.memory_space<vmem>> -> memref<128xi32, #tpu.memory_space<vmem>>
        %dma_start3A_200 = arith.constant 0 : i32
        %dma_start3A_201 = arith.constant 0 : i32
        %dma_start3A_202 = tpu.memref_slice %arg3[%dma_start3A_200, %dma_start3A_201] : memref<200000x128xf32, #tpu.memory_space<hbm>> -> memref<200000x128xf32, #tpu.memory_space<hbm>>
        tpu.enqueue_indirect_dma source(%dma_start3A_202 : memref<200000x128xf32, #tpu.memory_space<hbm>>) target(%arg12 : memref<128x128xf32, #tpu.memory_space<vmem>>) offsets(%dma_start3A_199 : memref<128xi32, #tpu.memory_space<vmem>>) semaphore(%arg18 : memref<!tpu.dma_semaphore, #tpu.memory_space<semaphore_mem>>)
      } else {
      }
      %dma_wait3A_167 = arith.constant 0 : i32
      %dma_wait3A_168 = tpu.memref_slice %arg5[%mul3A_2, %dma_wait3A_167] : memref<122880x128xf32, #tpu.memory_space<hbm>> -> memref<128x128xf32, #tpu.memory_space<hbm>>
      %dma_wait3A_169 = arith.constant 0 : i32
      %dma_wait3A_170 = tpu.memref_slice %arg5[%mul3A_2, %dma_wait3A_169] : memref<122880x128xf32, #tpu.memory_space<hbm>> -> memref<128x128xf32, #tpu.memory_space<hbm>>
      tpu.wait_dma2 semaphore(%arg19 : memref<!tpu.dma_semaphore, #tpu.memory_space<semaphore_mem>>) src(%arg13 : memref<128x128xf32, #tpu.memory_space<vmem>>) dst(%dma_wait3A_170 : memref<128x128xf32, #tpu.memory_space<hbm>>)
      %dma_wait3A_171 = arith.constant 0 : i32
      %dma_wait3A_172 = tpu.memref_slice %arg5[%mul3A_2, %dma_wait3A_171] : memref<122880x128xf32, #tpu.memory_space<hbm>> -> memref<128x128xf32, #tpu.memory_space<hbm>>
      %dma_wait3A_173 = arith.constant 0 : i32
      %dma_wait3A_174 = tpu.memref_slice %arg5[%mul3A_2, %dma_wait3A_173] : memref<122880x128xf32, #tpu.memory_space<hbm>> -> memref<128x128xf32, #tpu.memory_space<hbm>>
      tpu.wait_dma2 semaphore(%arg19 : memref<!tpu.dma_semaphore, #tpu.memory_space<semaphore_mem>>) src(%arg14 : memref<128x128xf32, #tpu.memory_space<vmem>>) dst(%dma_wait3A_174 : memref<128x128xf32, #tpu.memory_space<hbm>>)
      %dma_wait3A_175 = arith.constant 0 : i32
      %dma_wait3A_176 = tpu.memref_slice %arg5[%mul3A_2, %dma_wait3A_175] : memref<122880x128xf32, #tpu.memory_space<hbm>> -> memref<128x128xf32, #tpu.memory_space<hbm>>
      %dma_wait3A_177 = arith.constant 0 : i32
      %dma_wait3A_178 = tpu.memref_slice %arg5[%mul3A_2, %dma_wait3A_177] : memref<122880x128xf32, #tpu.memory_space<hbm>> -> memref<128x128xf32, #tpu.memory_space<hbm>>
      tpu.wait_dma2 semaphore(%arg19 : memref<!tpu.dma_semaphore, #tpu.memory_space<semaphore_mem>>) src(%arg15 : memref<128x128xf32, #tpu.memory_space<vmem>>) dst(%dma_wait3A_178 : memref<128x128xf32, #tpu.memory_space<hbm>>)
      %add3A_179 = arith.constant 2 : i32
      %add3A_180 = arith.addi %add3A_66, %add3A_179 : i32
      %lt3A_181 = arith.constant 10 : i32
      %lt3A_182 = arith.cmpi slt, %add3A_180, %lt3A_181 : i32
      %convert_element_type3A_183 = arith.extui %lt3A_182 : i1 to i32
      %cond3A_184 = arith.constant 0 : i32
      %cond3A_185 = arith.cmpi ne, %convert_element_type3A_183, %cond3A_184 : i32
      scf.if %cond3A_185 {
        %add3A_187 = arith.constant 2 : i32
        %add3A_188 = arith.addi %add3A_66, %add3A_187 : i32
        %mul3A_189 = arith.constant 128 : i32
        %mul3A_190 = arith.muli %add3A_188, %mul3A_189 : i32
        %dma_start3A_191 = tpu.memref_slice %arg7[%mul3A_190] : memref<1280xi32, #tpu.memory_space<vmem>> -> memref<128xi32, #tpu.memory_space<vmem>>
        %dma_start3A_192 = arith.constant 0 : i32
        %dma_start3A_193 = arith.constant 0 : i32
        %dma_start3A_194 = tpu.memref_slice %arg3[%dma_start3A_192, %dma_start3A_193] : memref<200000x128xf32, #tpu.memory_space<hbm>> -> memref<200000x128xf32, #tpu.memory_space<hbm>>
        tpu.enqueue_indirect_dma source(%dma_start3A_194 : memref<200000x128xf32, #tpu.memory_space<hbm>>) target(%arg13 : memref<128x128xf32, #tpu.memory_space<vmem>>) offsets(%dma_start3A_191 : memref<128xi32, #tpu.memory_space<vmem>>) semaphore(%arg18 : memref<!tpu.dma_semaphore, #tpu.memory_space<semaphore_mem>>)
        %dma_start3A_195 = tpu.memref_slice %arg8[%mul3A_190] : memref<1280xi32, #tpu.memory_space<vmem>> -> memref<128xi32, #tpu.memory_space<vmem>>
        %dma_start3A_196 = arith.constant 0 : i32
        %dma_start3A_197 = arith.constant 0 : i32
        %dma_start3A_198 = tpu.memref_slice %arg3[%dma_start3A_196, %dma_start3A_197] : memref<200000x128xf32, #tpu.memory_space<hbm>> -> memref<200000x128xf32, #tpu.memory_space<hbm>>
        tpu.enqueue_indirect_dma source(%dma_start3A_198 : memref<200000x128xf32, #tpu.memory_space<hbm>>) target(%arg14 : memref<128x128xf32, #tpu.memory_space<vmem>>) offsets(%dma_start3A_195 : memref<128xi32, #tpu.memory_space<vmem>>) semaphore(%arg18 : memref<!tpu.dma_semaphore, #tpu.memory_space<semaphore_mem>>)
        %dma_start3A_199 = tpu.memref_slice %arg9[%mul3A_190] : memref<1280xi32, #tpu.memory_space<vmem>> -> memref<128xi32, #tpu.memory_space<vmem>>
        %dma_start3A_200 = arith.constant 0 : i32
        %dma_start3A_201 = arith.constant 0 : i32
        %dma_start3A_202 = tpu.memref_slice %arg3[%dma_start3A_200, %dma_start3A_201] : memref<200000x128xf32, #tpu.memory_space<hbm>> -> memref<200000x128xf32, #tpu.memory_space<hbm>>
        tpu.enqueue_indirect_dma source(%dma_start3A_202 : memref<200000x128xf32, #tpu.memory_space<hbm>>) target(%arg15 : memref<128x128xf32, #tpu.memory_space<vmem>>) offsets(%dma_start3A_199 : memref<128xi32, #tpu.memory_space<vmem>>) semaphore(%arg18 : memref<!tpu.dma_semaphore, #tpu.memory_space<semaphore_mem>>)
      } else {
      }
      %scan3A_186 = arith.constant 0 : i32
      scf.yield %scan3A_186 : i32
    }
    %scan3A_49 = arith.constant 5 : i32
    %dma_wait3A = arith.constant 0 : i32
    %dma_wait3A_50 = tpu.memref_slice %arg8[%dma_wait3A] : memref<1280xi32, #tpu.memory_space<vmem>> -> memref<1280xi32, #tpu.memory_space<vmem>>
    %dma_wait3A_51 = arith.constant 0 : i32
    %dma_wait3A_52 = tpu.memref_slice %arg4[%dma_wait3A_51] : memref<200000xf32, #tpu.memory_space<hbm>> -> memref<200000xf32, #tpu.memory_space<hbm>>
    tpu.wait_indirect_dma semaphore(%arg20 : memref<!tpu.dma_semaphore, #tpu.memory_space<semaphore_mem>>) src(%dma_wait3A_52 : memref<200000xf32, #tpu.memory_space<hbm>>) dst(%arg16 : memref<1280xf32, #tpu.memory_space<vmem>>)
    %dma_wait3A_53 = arith.constant 0 : i32
    %dma_wait3A_54 = tpu.memref_slice %arg9[%dma_wait3A_53] : memref<1280xi32, #tpu.memory_space<vmem>> -> memref<1280xi32, #tpu.memory_space<vmem>>
    %dma_wait3A_55 = arith.constant 0 : i32
    %dma_wait3A_56 = tpu.memref_slice %arg4[%dma_wait3A_55] : memref<200000xf32, #tpu.memory_space<hbm>> -> memref<200000xf32, #tpu.memory_space<hbm>>
    tpu.wait_indirect_dma semaphore(%arg20 : memref<!tpu.dma_semaphore, #tpu.memory_space<semaphore_mem>>) src(%dma_wait3A_56 : memref<200000xf32, #tpu.memory_space<hbm>>) dst(%arg17 : memref<1280xf32, #tpu.memory_space<vmem>>)
    "tpu.region"() ({
      %run_scoped3A = tpu.sem_alloc : memref<!tpu.dma_semaphore, #tpu.memory_space<semaphore_mem>>
      %dma_start3A_59 = tpu.memref_slice %arg6[%mul3A_2] : memref<81920xf32, #tpu.memory_space<hbm>> -> memref<1280xf32, #tpu.memory_space<hbm>>
      %dma_start3A_60 = tpu.memref_slice %arg6[%mul3A_2] : memref<81920xf32, #tpu.memory_space<hbm>> -> memref<1280xf32, #tpu.memory_space<hbm>>
      tpu.enqueue_dma source(%arg16 : memref<1280xf32, #tpu.memory_space<vmem>>) target(%dma_start3A_60 : memref<1280xf32, #tpu.memory_space<hbm>>) target_semaphore(%run_scoped3A : memref<!tpu.dma_semaphore, #tpu.memory_space<semaphore_mem>>)
      %dma_wait3A_61 = tpu.memref_slice %arg6[%mul3A_2] : memref<81920xf32, #tpu.memory_space<hbm>> -> memref<1280xf32, #tpu.memory_space<hbm>>
      %dma_wait3A_62 = tpu.memref_slice %arg6[%mul3A_2] : memref<81920xf32, #tpu.memory_space<hbm>> -> memref<1280xf32, #tpu.memory_space<hbm>>
      tpu.wait_dma2 semaphore(%run_scoped3A : memref<!tpu.dma_semaphore, #tpu.memory_space<semaphore_mem>>) src(%arg16 : memref<1280xf32, #tpu.memory_space<vmem>>) dst(%dma_wait3A_62 : memref<1280xf32, #tpu.memory_space<hbm>>)
      tpu.yield
    }) : () -> ()
    %add3A_57 = arith.constant 40960 : i32
    %add3A_58 = arith.addi %add3A_57, %mul3A_2 : i32
    "tpu.region"() ({
      %run_scoped3A = tpu.sem_alloc : memref<!tpu.dma_semaphore, #tpu.memory_space<semaphore_mem>>
      %dma_start3A_59 = tpu.memref_slice %arg6[%add3A_58] : memref<81920xf32, #tpu.memory_space<hbm>> -> memref<1280xf32, #tpu.memory_space<hbm>>
      %dma_start3A_60 = tpu.memref_slice %arg6[%add3A_58] : memref<81920xf32, #tpu.memory_space<hbm>> -> memref<1280xf32, #tpu.memory_space<hbm>>
      tpu.enqueue_dma source(%arg17 : memref<1280xf32, #tpu.memory_space<vmem>>) target(%dma_start3A_60 : memref<1280xf32, #tpu.memory_space<hbm>>) target_semaphore(%run_scoped3A : memref<!tpu.dma_semaphore, #tpu.memory_space<semaphore_mem>>)
      %dma_wait3A_61 = tpu.memref_slice %arg6[%add3A_58] : memref<81920xf32, #tpu.memory_space<hbm>> -> memref<1280xf32, #tpu.memory_space<hbm>>
      %dma_wait3A_62 = tpu.memref_slice %arg6[%add3A_58] : memref<81920xf32, #tpu.memory_space<hbm>> -> memref<1280xf32, #tpu.memory_space<hbm>>
      tpu.wait_dma2 semaphore(%run_scoped3A : memref<!tpu.dma_semaphore, #tpu.memory_space<semaphore_mem>>) src(%arg17 : memref<1280xf32, #tpu.memory_space<vmem>>) dst(%dma_wait3A_62 : memref<1280xf32, #tpu.memory_space<hbm>>)
      tpu.yield
    }) : () -> ()
    return
  }
}

#map = affine_map<(d0, d1) -> (0)>
#map1 = affine_map<(d0, d1) -> (0, 0)>
module attributes {stable_mosaic.version = 14 : i64} {
  func.func @k(%arg0: i32, %arg1: i32, %arg2: memref<122880xi32, #tpu.memory_space<hbm>>, %arg3: memref<200000x128xf32, #tpu.memory_space<hbm>>, %arg4: memref<200000xf32, #tpu.memory_space<hbm>>, %arg5: memref<122880x128xf32, #tpu.memory_space<hbm>>, %arg6: memref<81920xf32, #tpu.memory_space<hbm>>, %arg7: memref<1280xi32, #tpu.memory_space<vmem>>, %arg8: memref<1280xi32, #tpu.memory_space<vmem>>, %arg9: memref<1280xi32, #tpu.memory_space<vmem>>, %arg10: memref<128x128xf32, #tpu.memory_space<vmem>>, %arg11: memref<128x128xf32, #tpu.memory_space<vmem>>, %arg12: memref<128x128xf32, #tpu.memory_space<vmem>>, %arg13: memref<128x128xf32, #tpu.memory_space<vmem>>, %arg14: memref<128x128xf32, #tpu.memory_space<vmem>>, %arg15: memref<128x128xf32, #tpu.memory_space<vmem>>, %arg16: memref<1280xf32, #tpu.memory_space<vmem>>, %arg17: memref<1280xf32, #tpu.memory_space<vmem>>, %arg18: memref<!tpu.dma_semaphore, #tpu.memory_space<semaphore_mem>>, %arg19: memref<!tpu.dma_semaphore, #tpu.memory_space<semaphore_mem>>, %arg20: memref<!tpu.dma_semaphore, #tpu.memory_space<semaphore_mem>>) attributes {dimension_semantics = [#tpu.dimension_semantics<core_parallel>, #tpu.dimension_semantics<subcore_parallel>], iteration_bounds = array<i64: 2, 16>, scalar_prefetch = 0 : i64, scratch_operands = 14 : i64, tpu.core_type = #tpu.core_type<sc_vector_subcore>, window_params = [{transform_indices = #map}, {transform_indices = #map1}, {transform_indices = #map}, {transform_indices = #map1}, {transform_indices = #map}]} {
    %mul3A = arith.constant 2 : i32
    %mul3A_0 = arith.muli %arg1, %mul3A : i32
    %add3A = arith.addi %mul3A_0, %arg0 : i32
    %mul3A_1 = arith.constant 1280 : i32
    %mul3A_2 = arith.muli %add3A, %mul3A_1 : i32
    "tpu.region"() ({
      %run_scoped3A = tpu.sem_alloc : memref<!tpu.dma_semaphore, #tpu.memory_space<semaphore_mem>>
      %dma_start3A_59 = tpu.memref_slice %arg2[%mul3A_2] : memref<122880xi32, #tpu.memory_space<hbm>> -> memref<1280xi32, #tpu.memory_space<hbm>>
      %dma_start3A_60 = tpu.memref_slice %arg2[%mul3A_2] : memref<122880xi32, #tpu.memory_space<hbm>> -> memref<1280xi32, #tpu.memory_space<hbm>>
      tpu.enqueue_dma source(%dma_start3A_60 : memref<1280xi32, #tpu.memory_space<hbm>>) target(%arg7 : memref<1280xi32, #tpu.memory_space<vmem>>) target_semaphore(%run_scoped3A : memref<!tpu.dma_semaphore, #tpu.memory_space<semaphore_mem>>)
      %dma_wait3A_61 = tpu.memref_slice %arg2[%mul3A_2] : memref<122880xi32, #tpu.memory_space<hbm>> -> memref<1280xi32, #tpu.memory_space<hbm>>
      %dma_wait3A_62 = tpu.memref_slice %arg2[%mul3A_2] : memref<122880xi32, #tpu.memory_space<hbm>> -> memref<1280xi32, #tpu.memory_space<hbm>>
      tpu.wait_dma2 semaphore(%run_scoped3A : memref<!tpu.dma_semaphore, #tpu.memory_space<semaphore_mem>>) src(%dma_wait3A_62 : memref<1280xi32, #tpu.memory_space<hbm>>) dst(%arg7 : memref<1280xi32, #tpu.memory_space<vmem>>)
      tpu.yield
    }) : () -> ()
    %add3A_3 = arith.constant 40960 : i32
    %add3A_4 = arith.addi %add3A_3, %mul3A_2 : i32
    "tpu.region"() ({
      %run_scoped3A = tpu.sem_alloc : memref<!tpu.dma_semaphore, #tpu.memory_space<semaphore_mem>>
      %dma_start3A_59 = tpu.memref_slice %arg2[%add3A_4] : memref<122880xi32, #tpu.memory_space<hbm>> -> memref<1280xi32, #tpu.memory_space<hbm>>
      %dma_start3A_60 = tpu.memref_slice %arg2[%add3A_4] : memref<122880xi32, #tpu.memory_space<hbm>> -> memref<1280xi32, #tpu.memory_space<hbm>>
      tpu.enqueue_dma source(%dma_start3A_60 : memref<1280xi32, #tpu.memory_space<hbm>>) target(%arg8 : memref<1280xi32, #tpu.memory_space<vmem>>) target_semaphore(%run_scoped3A : memref<!tpu.dma_semaphore, #tpu.memory_space<semaphore_mem>>)
      %dma_wait3A_61 = tpu.memref_slice %arg2[%add3A_4] : memref<122880xi32, #tpu.memory_space<hbm>> -> memref<1280xi32, #tpu.memory_space<hbm>>
      %dma_wait3A_62 = tpu.memref_slice %arg2[%add3A_4] : memref<122880xi32, #tpu.memory_space<hbm>> -> memref<1280xi32, #tpu.memory_space<hbm>>
      tpu.wait_dma2 semaphore(%run_scoped3A : memref<!tpu.dma_semaphore, #tpu.memory_space<semaphore_mem>>) src(%dma_wait3A_62 : memref<1280xi32, #tpu.memory_space<hbm>>) dst(%arg8 : memref<1280xi32, #tpu.memory_space<vmem>>)
      tpu.yield
    }) : () -> ()
    %add3A_5 = arith.constant 81920 : i32
    %add3A_6 = arith.addi %add3A_5, %mul3A_2 : i32
    "tpu.region"() ({
      %run_scoped3A = tpu.sem_alloc : memref<!tpu.dma_semaphore, #tpu.memory_space<semaphore_mem>>
      %dma_start3A_59 = tpu.memref_slice %arg2[%add3A_6] : memref<122880xi32, #tpu.memory_space<hbm>> -> memref<1280xi32, #tpu.memory_space<hbm>>
      %dma_start3A_60 = tpu.memref_slice %arg2[%add3A_6] : memref<122880xi32, #tpu.memory_space<hbm>> -> memref<1280xi32, #tpu.memory_space<hbm>>
      tpu.enqueue_dma source(%dma_start3A_60 : memref<1280xi32, #tpu.memory_space<hbm>>) target(%arg9 : memref<1280xi32, #tpu.memory_space<vmem>>) target_semaphore(%run_scoped3A : memref<!tpu.dma_semaphore, #tpu.memory_space<semaphore_mem>>)
      %dma_wait3A_61 = tpu.memref_slice %arg2[%add3A_6] : memref<122880xi32, #tpu.memory_space<hbm>> -> memref<1280xi32, #tpu.memory_space<hbm>>
      %dma_wait3A_62 = tpu.memref_slice %arg2[%add3A_6] : memref<122880xi32, #tpu.memory_space<hbm>> -> memref<1280xi32, #tpu.memory_space<hbm>>
      tpu.wait_dma2 semaphore(%run_scoped3A : memref<!tpu.dma_semaphore, #tpu.memory_space<semaphore_mem>>) src(%dma_wait3A_62 : memref<1280xi32, #tpu.memory_space<hbm>>) dst(%arg9 : memref<1280xi32, #tpu.memory_space<vmem>>)
      tpu.yield
    }) : () -> ()
    %dma_start3A = arith.constant 0 : i32
    %dma_start3A_7 = tpu.memref_slice %arg8[%dma_start3A] : memref<1280xi32, #tpu.memory_space<vmem>> -> memref<1280xi32, #tpu.memory_space<vmem>>
    %dma_start3A_8 = arith.constant 0 : i32
    %dma_start3A_9 = tpu.memref_slice %arg4[%dma_start3A_8] : memref<200000xf32, #tpu.memory_space<hbm>> -> memref<200000xf32, #tpu.memory_space<hbm>>
    tpu.enqueue_indirect_dma source(%dma_start3A_9 : memref<200000xf32, #tpu.memory_space<hbm>>) target(%arg16 : memref<1280xf32, #tpu.memory_space<vmem>>) offsets(%dma_start3A_7 : memref<1280xi32, #tpu.memory_space<vmem>>) semaphore(%arg20 : memref<!tpu.dma_semaphore, #tpu.memory_space<semaphore_mem>>)
    %dma_start3A_10 = arith.constant 0 : i32
    %dma_start3A_11 = tpu.memref_slice %arg9[%dma_start3A_10] : memref<1280xi32, #tpu.memory_space<vmem>> -> memref<1280xi32, #tpu.memory_space<vmem>>
    %dma_start3A_12 = arith.constant 0 : i32
    %dma_start3A_13 = tpu.memref_slice %arg4[%dma_start3A_12] : memref<200000xf32, #tpu.memory_space<hbm>> -> memref<200000xf32, #tpu.memory_space<hbm>>
    tpu.enqueue_indirect_dma source(%dma_start3A_13 : memref<200000xf32, #tpu.memory_space<hbm>>) target(%arg17 : memref<1280xf32, #tpu.memory_space<vmem>>) offsets(%dma_start3A_11 : memref<1280xi32, #tpu.memory_space<vmem>>) semaphore(%arg20 : memref<!tpu.dma_semaphore, #tpu.memory_space<semaphore_mem>>)
    %dma_start3A_14 = arith.constant 0 : i32
    %dma_start3A_15 = tpu.memref_slice %arg7[%dma_start3A_14] : memref<1280xi32, #tpu.memory_space<vmem>> -> memref<128xi32, #tpu.memory_space<vmem>>
    %dma_start3A_16 = arith.constant 0 : i32
    %dma_start3A_17 = arith.constant 0 : i32
    %dma_start3A_18 = tpu.memref_slice %arg3[%dma_start3A_16, %dma_start3A_17] : memref<200000x128xf32, #tpu.memory_space<hbm>> -> memref<200000x128xf32, #tpu.memory_space<hbm>>
    tpu.enqueue_indirect_dma source(%dma_start3A_18 : memref<200000x128xf32, #tpu.memory_space<hbm>>) target(%arg10 : memref<128x128xf32, #tpu.memory_space<vmem>>) offsets(%dma_start3A_15 : memref<128xi32, #tpu.memory_space<vmem>>) semaphore(%arg18 : memref<!tpu.dma_semaphore, #tpu.memory_space<semaphore_mem>>)
    %dma_start3A_19 = arith.constant 0 : i32
    %dma_start3A_20 = tpu.memref_slice %arg8[%dma_start3A_19] : memref<1280xi32, #tpu.memory_space<vmem>> -> memref<128xi32, #tpu.memory_space<vmem>>
    %dma_start3A_21 = arith.constant 0 : i32
    %dma_start3A_22 = arith.constant 0 : i32
    %dma_start3A_23 = tpu.memref_slice %arg3[%dma_start3A_21, %dma_start3A_22] : memref<200000x128xf32, #tpu.memory_space<hbm>> -> memref<200000x128xf32, #tpu.memory_space<hbm>>
    tpu.enqueue_indirect_dma source(%dma_start3A_23 : memref<200000x128xf32, #tpu.memory_space<hbm>>) target(%arg11 : memref<128x128xf32, #tpu.memory_space<vmem>>) offsets(%dma_start3A_20 : memref<128xi32, #tpu.memory_space<vmem>>) semaphore(%arg18 : memref<!tpu.dma_semaphore, #tpu.memory_space<semaphore_mem>>)
    %dma_start3A_24 = arith.constant 0 : i32
    %dma_start3A_25 = tpu.memref_slice %arg9[%dma_start3A_24] : memref<1280xi32, #tpu.memory_space<vmem>> -> memref<128xi32, #tpu.memory_space<vmem>>
    %dma_start3A_26 = arith.constant 0 : i32
    %dma_start3A_27 = arith.constant 0 : i32
    %dma_start3A_28 = tpu.memref_slice %arg3[%dma_start3A_26, %dma_start3A_27] : memref<200000x128xf32, #tpu.memory_space<hbm>> -> memref<200000x128xf32, #tpu.memory_space<hbm>>
    tpu.enqueue_indirect_dma source(%dma_start3A_28 : memref<200000x128xf32, #tpu.memory_space<hbm>>) target(%arg12 : memref<128x128xf32, #tpu.memory_space<vmem>>) offsets(%dma_start3A_25 : memref<128xi32, #tpu.memory_space<vmem>>) semaphore(%arg18 : memref<!tpu.dma_semaphore, #tpu.memory_space<semaphore_mem>>)
    %dma_start3A_29 = arith.constant 128 : i32
    %dma_start3A_30 = tpu.memref_slice %arg7[%dma_start3A_29] : memref<1280xi32, #tpu.memory_space<vmem>> -> memref<128xi32, #tpu.memory_space<vmem>>
    %dma_start3A_31 = arith.constant 0 : i32
    %dma_start3A_32 = arith.constant 0 : i32
    %dma_start3A_33 = tpu.memref_slice %arg3[%dma_start3A_31, %dma_start3A_32] : memref<200000x128xf32, #tpu.memory_space<hbm>> -> memref<200000x128xf32, #tpu.memory_space<hbm>>
    tpu.enqueue_indirect_dma source(%dma_start3A_33 : memref<200000x128xf32, #tpu.memory_space<hbm>>) target(%arg13 : memref<128x128xf32, #tpu.memory_space<vmem>>) offsets(%dma_start3A_30 : memref<128xi32, #tpu.memory_space<vmem>>) semaphore(%arg18 : memref<!tpu.dma_semaphore, #tpu.memory_space<semaphore_mem>>)
    %dma_start3A_34 = arith.constant 128 : i32
    %dma_start3A_35 = tpu.memref_slice %arg8[%dma_start3A_34] : memref<1280xi32, #tpu.memory_space<vmem>> -> memref<128xi32, #tpu.memory_space<vmem>>
    %dma_start3A_36 = arith.constant 0 : i32
    %dma_start3A_37 = arith.constant 0 : i32
    %dma_start3A_38 = tpu.memref_slice %arg3[%dma_start3A_36, %dma_start3A_37] : memref<200000x128xf32, #tpu.memory_space<hbm>> -> memref<200000x128xf32, #tpu.memory_space<hbm>>
    tpu.enqueue_indirect_dma source(%dma_start3A_38 : memref<200000x128xf32, #tpu.memory_space<hbm>>) target(%arg14 : memref<128x128xf32, #tpu.memory_space<vmem>>) offsets(%dma_start3A_35 : memref<128xi32, #tpu.memory_space<vmem>>) semaphore(%arg18 : memref<!tpu.dma_semaphore, #tpu.memory_space<semaphore_mem>>)
    %dma_start3A_39 = arith.constant 128 : i32
    %dma_start3A_40 = tpu.memref_slice %arg9[%dma_start3A_39] : memref<1280xi32, #tpu.memory_space<vmem>> -> memref<128xi32, #tpu.memory_space<vmem>>
    %dma_start3A_41 = arith.constant 0 : i32
    %dma_start3A_42 = arith.constant 0 : i32
    %dma_start3A_43 = tpu.memref_slice %arg3[%dma_start3A_41, %dma_start3A_42] : memref<200000x128xf32, #tpu.memory_space<hbm>> -> memref<200000x128xf32, #tpu.memory_space<hbm>>
    tpu.enqueue_indirect_dma source(%dma_start3A_43 : memref<200000x128xf32, #tpu.memory_space<hbm>>) target(%arg15 : memref<128x128xf32, #tpu.memory_space<vmem>>) offsets(%dma_start3A_40 : memref<128xi32, #tpu.memory_space<vmem>>) semaphore(%arg18 : memref<!tpu.dma_semaphore, #tpu.memory_space<semaphore_mem>>)
    %scan3A = arith.constant 0 : i32
    %scan3A_44 = arith.constant 0 : i32
    %scan3A_45 = arith.constant 5 : i32
    %scan3A_46 = arith.addi %scan3A_44, %scan3A_45 : i32
    %scan3A_47 = arith.constant 1 : i32
    %scan3A_48 = scf.for %scan3A_59 = %scan3A_44 to %scan3A_46 step %scan3A_47 iter_args(%scan3A_60 = %scan3A) -> (i32)  : i32 {
      %mul3A_61 = arith.constant 2 : i32
      %mul3A_62 = arith.muli %mul3A_61, %scan3A_59 : i32
      %mul3A_63 = arith.constant 2 : i32
      %mul3A_64 = arith.muli %mul3A_63, %scan3A_59 : i32
      %add3A_65 = arith.constant 1 : i32
      %add3A_66 = arith.addi %mul3A_64, %add3A_65 : i32
      %dma_wait3A_67 = arith.constant 0 : i32
      %dma_wait3A_68 = tpu.memref_slice %arg7[%dma_wait3A_67] : memref<1280xi32, #tpu.memory_space<vmem>> -> memref<128xi32, #tpu.memory_space<vmem>>
      %dma_wait3A_69 = arith.constant 0 : i32
      %dma_wait3A_70 = arith.constant 0 : i32
      %dma_wait3A_71 = tpu.memref_slice %arg3[%dma_wait3A_69, %dma_wait3A_70] : memref<200000x128xf32, #tpu.memory_space<hbm>> -> memref<200000x128xf32, #tpu.memory_space<hbm>>
      tpu.wait_indirect_dma semaphore(%arg18 : memref<!tpu.dma_semaphore, #tpu.memory_space<semaphore_mem>>) src(%dma_wait3A_71 : memref<200000x128xf32, #tpu.memory_space<hbm>>) dst(%arg10 : memref<128x128xf32, #tpu.memory_space<vmem>>)
      %dma_wait3A_72 = arith.constant 0 : i32
      %dma_wait3A_73 = tpu.memref_slice %arg8[%dma_wait3A_72] : memref<1280xi32, #tpu.memory_space<vmem>> -> memref<128xi32, #tpu.memory_space<vmem>>
      %dma_wait3A_74 = arith.constant 0 : i32
      %dma_wait3A_75 = arith.constant 0 : i32
      %dma_wait3A_76 = tpu.memref_slice %arg3[%dma_wait3A_74, %dma_wait3A_75] : memref<200000x128xf32, #tpu.memory_space<hbm>> -> memref<200000x128xf32, #tpu.memory_space<hbm>>
      tpu.wait_indirect_dma semaphore(%arg18 : memref<!tpu.dma_semaphore, #tpu.memory_space<semaphore_mem>>) src(%dma_wait3A_76 : memref<200000x128xf32, #tpu.memory_space<hbm>>) dst(%arg11 : memref<128x128xf32, #tpu.memory_space<vmem>>)
      %dma_wait3A_77 = arith.constant 0 : i32
      %dma_wait3A_78 = tpu.memref_slice %arg9[%dma_wait3A_77] : memref<1280xi32, #tpu.memory_space<vmem>> -> memref<128xi32, #tpu.memory_space<vmem>>
      %dma_wait3A_79 = arith.constant 0 : i32
      %dma_wait3A_80 = arith.constant 0 : i32
      %dma_wait3A_81 = tpu.memref_slice %arg3[%dma_wait3A_79, %dma_wait3A_80] : memref<200000x128xf32, #tpu.memory_space<hbm>> -> memref<200000x128xf32, #tpu.memory_space<hbm>>
      tpu.wait_indirect_dma semaphore(%arg18 : memref<!tpu.dma_semaphore, #tpu.memory_space<semaphore_mem>>) src(%dma_wait3A_81 : memref<200000x128xf32, #tpu.memory_space<hbm>>) dst(%arg12 : memref<128x128xf32, #tpu.memory_space<vmem>>)
      %add3A_82 = arith.constant 0 : i32
      %add3A_83 = arith.addi %add3A_82, %mul3A_2 : i32
      %mul3A_84 = arith.constant 128 : i32
      %mul3A_85 = arith.muli %mul3A_62, %mul3A_84 : i32
      %add3A_86 = arith.addi %add3A_83, %mul3A_85 : i32
      %dma_start3A_87 = arith.constant 0 : i32
      %dma_start3A_88 = tpu.memref_slice %arg5[%add3A_86, %dma_start3A_87] : memref<122880x128xf32, #tpu.memory_space<hbm>> -> memref<128x128xf32, #tpu.memory_space<hbm>>
      %dma_start3A_89 = arith.constant 0 : i32
      %dma_start3A_90 = tpu.memref_slice %arg5[%add3A_86, %dma_start3A_89] : memref<122880x128xf32, #tpu.memory_space<hbm>> -> memref<128x128xf32, #tpu.memory_space<hbm>>
      tpu.enqueue_dma source(%arg10 : memref<128x128xf32, #tpu.memory_space<vmem>>) target(%dma_start3A_90 : memref<128x128xf32, #tpu.memory_space<hbm>>) target_semaphore(%arg19 : memref<!tpu.dma_semaphore, #tpu.memory_space<semaphore_mem>>)
      %add3A_91 = arith.constant 40960 : i32
      %add3A_92 = arith.addi %add3A_91, %mul3A_2 : i32
      %mul3A_93 = arith.constant 128 : i32
      %mul3A_94 = arith.muli %mul3A_62, %mul3A_93 : i32
      %add3A_95 = arith.addi %add3A_92, %mul3A_94 : i32
      %dma_start3A_96 = arith.constant 0 : i32
      %dma_start3A_97 = tpu.memref_slice %arg5[%add3A_95, %dma_start3A_96] : memref<122880x128xf32, #tpu.memory_space<hbm>> -> memref<128x128xf32, #tpu.memory_space<hbm>>
      %dma_start3A_98 = arith.constant 0 : i32
      %dma_start3A_99 = tpu.memref_slice %arg5[%add3A_95, %dma_start3A_98] : memref<122880x128xf32, #tpu.memory_space<hbm>> -> memref<128x128xf32, #tpu.memory_space<hbm>>
      tpu.enqueue_dma source(%arg11 : memref<128x128xf32, #tpu.memory_space<vmem>>) target(%dma_start3A_99 : memref<128x128xf32, #tpu.memory_space<hbm>>) target_semaphore(%arg19 : memref<!tpu.dma_semaphore, #tpu.memory_space<semaphore_mem>>)
      %add3A_100 = arith.constant 81920 : i32
      %add3A_101 = arith.addi %add3A_100, %mul3A_2 : i32
      %mul3A_102 = arith.constant 128 : i32
      %mul3A_103 = arith.muli %mul3A_62, %mul3A_102 : i32
      %add3A_104 = arith.addi %add3A_101, %mul3A_103 : i32
      %dma_start3A_105 = arith.constant 0 : i32
      %dma_start3A_106 = tpu.memref_slice %arg5[%add3A_104, %dma_start3A_105] : memref<122880x128xf32, #tpu.memory_space<hbm>> -> memref<128x128xf32, #tpu.memory_space<hbm>>
      %dma_start3A_107 = arith.constant 0 : i32
      %dma_start3A_108 = tpu.memref_slice %arg5[%add3A_104, %dma_start3A_107] : memref<122880x128xf32, #tpu.memory_space<hbm>> -> memref<128x128xf32, #tpu.memory_space<hbm>>
      tpu.enqueue_dma source(%arg12 : memref<128x128xf32, #tpu.memory_space<vmem>>) target(%dma_start3A_108 : memref<128x128xf32, #tpu.memory_space<hbm>>) target_semaphore(%arg19 : memref<!tpu.dma_semaphore, #tpu.memory_space<semaphore_mem>>)
      %dma_wait3A_109 = arith.constant 0 : i32
      %dma_wait3A_110 = tpu.memref_slice %arg7[%dma_wait3A_109] : memref<1280xi32, #tpu.memory_space<vmem>> -> memref<128xi32, #tpu.memory_space<vmem>>
      %dma_wait3A_111 = arith.constant 0 : i32
      %dma_wait3A_112 = arith.constant 0 : i32
      %dma_wait3A_113 = tpu.memref_slice %arg3[%dma_wait3A_111, %dma_wait3A_112] : memref<200000x128xf32, #tpu.memory_space<hbm>> -> memref<200000x128xf32, #tpu.memory_space<hbm>>
      tpu.wait_indirect_dma semaphore(%arg18 : memref<!tpu.dma_semaphore, #tpu.memory_space<semaphore_mem>>) src(%dma_wait3A_113 : memref<200000x128xf32, #tpu.memory_space<hbm>>) dst(%arg13 : memref<128x128xf32, #tpu.memory_space<vmem>>)
      %dma_wait3A_114 = arith.constant 0 : i32
      %dma_wait3A_115 = tpu.memref_slice %arg8[%dma_wait3A_114] : memref<1280xi32, #tpu.memory_space<vmem>> -> memref<128xi32, #tpu.memory_space<vmem>>
      %dma_wait3A_116 = arith.constant 0 : i32
      %dma_wait3A_117 = arith.constant 0 : i32
      %dma_wait3A_118 = tpu.memref_slice %arg3[%dma_wait3A_116, %dma_wait3A_117] : memref<200000x128xf32, #tpu.memory_space<hbm>> -> memref<200000x128xf32, #tpu.memory_space<hbm>>
      tpu.wait_indirect_dma semaphore(%arg18 : memref<!tpu.dma_semaphore, #tpu.memory_space<semaphore_mem>>) src(%dma_wait3A_118 : memref<200000x128xf32, #tpu.memory_space<hbm>>) dst(%arg14 : memref<128x128xf32, #tpu.memory_space<vmem>>)
      %dma_wait3A_119 = arith.constant 0 : i32
      %dma_wait3A_120 = tpu.memref_slice %arg9[%dma_wait3A_119] : memref<1280xi32, #tpu.memory_space<vmem>> -> memref<128xi32, #tpu.memory_space<vmem>>
      %dma_wait3A_121 = arith.constant 0 : i32
      %dma_wait3A_122 = arith.constant 0 : i32
      %dma_wait3A_123 = tpu.memref_slice %arg3[%dma_wait3A_121, %dma_wait3A_122] : memref<200000x128xf32, #tpu.memory_space<hbm>> -> memref<200000x128xf32, #tpu.memory_space<hbm>>
      tpu.wait_indirect_dma semaphore(%arg18 : memref<!tpu.dma_semaphore, #tpu.memory_space<semaphore_mem>>) src(%dma_wait3A_123 : memref<200000x128xf32, #tpu.memory_space<hbm>>) dst(%arg15 : memref<128x128xf32, #tpu.memory_space<vmem>>)
      %add3A_124 = arith.constant 0 : i32
      %add3A_125 = arith.addi %add3A_124, %mul3A_2 : i32
      %mul3A_126 = arith.constant 128 : i32
      %mul3A_127 = arith.muli %add3A_66, %mul3A_126 : i32
      %add3A_128 = arith.addi %add3A_125, %mul3A_127 : i32
      %dma_start3A_129 = arith.constant 0 : i32
      %dma_start3A_130 = tpu.memref_slice %arg5[%add3A_128, %dma_start3A_129] : memref<122880x128xf32, #tpu.memory_space<hbm>> -> memref<128x128xf32, #tpu.memory_space<hbm>>
      %dma_start3A_131 = arith.constant 0 : i32
      %dma_start3A_132 = tpu.memref_slice %arg5[%add3A_128, %dma_start3A_131] : memref<122880x128xf32, #tpu.memory_space<hbm>> -> memref<128x128xf32, #tpu.memory_space<hbm>>
      tpu.enqueue_dma source(%arg13 : memref<128x128xf32, #tpu.memory_space<vmem>>) target(%dma_start3A_132 : memref<128x128xf32, #tpu.memory_space<hbm>>) target_semaphore(%arg19 : memref<!tpu.dma_semaphore, #tpu.memory_space<semaphore_mem>>)
      %add3A_133 = arith.constant 40960 : i32
      %add3A_134 = arith.addi %add3A_133, %mul3A_2 : i32
      %mul3A_135 = arith.constant 128 : i32
      %mul3A_136 = arith.muli %add3A_66, %mul3A_135 : i32
      %add3A_137 = arith.addi %add3A_134, %mul3A_136 : i32
      %dma_start3A_138 = arith.constant 0 : i32
      %dma_start3A_139 = tpu.memref_slice %arg5[%add3A_137, %dma_start3A_138] : memref<122880x128xf32, #tpu.memory_space<hbm>> -> memref<128x128xf32, #tpu.memory_space<hbm>>
      %dma_start3A_140 = arith.constant 0 : i32
      %dma_start3A_141 = tpu.memref_slice %arg5[%add3A_137, %dma_start3A_140] : memref<122880x128xf32, #tpu.memory_space<hbm>> -> memref<128x128xf32, #tpu.memory_space<hbm>>
      tpu.enqueue_dma source(%arg14 : memref<128x128xf32, #tpu.memory_space<vmem>>) target(%dma_start3A_141 : memref<128x128xf32, #tpu.memory_space<hbm>>) target_semaphore(%arg19 : memref<!tpu.dma_semaphore, #tpu.memory_space<semaphore_mem>>)
      %add3A_142 = arith.constant 81920 : i32
      %add3A_143 = arith.addi %add3A_142, %mul3A_2 : i32
      %mul3A_144 = arith.constant 128 : i32
      %mul3A_145 = arith.muli %add3A_66, %mul3A_144 : i32
      %add3A_146 = arith.addi %add3A_143, %mul3A_145 : i32
      %dma_start3A_147 = arith.constant 0 : i32
      %dma_start3A_148 = tpu.memref_slice %arg5[%add3A_146, %dma_start3A_147] : memref<122880x128xf32, #tpu.memory_space<hbm>> -> memref<128x128xf32, #tpu.memory_space<hbm>>
      %dma_start3A_149 = arith.constant 0 : i32
      %dma_start3A_150 = tpu.memref_slice %arg5[%add3A_146, %dma_start3A_149] : memref<122880x128xf32, #tpu.memory_space<hbm>> -> memref<128x128xf32, #tpu.memory_space<hbm>>
      tpu.enqueue_dma source(%arg15 : memref<128x128xf32, #tpu.memory_space<vmem>>) target(%dma_start3A_150 : memref<128x128xf32, #tpu.memory_space<hbm>>) target_semaphore(%arg19 : memref<!tpu.dma_semaphore, #tpu.memory_space<semaphore_mem>>)
      %dma_wait3A_151 = arith.constant 0 : i32
      %dma_wait3A_152 = tpu.memref_slice %arg5[%mul3A_2, %dma_wait3A_151] : memref<122880x128xf32, #tpu.memory_space<hbm>> -> memref<128x128xf32, #tpu.memory_space<hbm>>
      %dma_wait3A_153 = arith.constant 0 : i32
      %dma_wait3A_154 = tpu.memref_slice %arg5[%mul3A_2, %dma_wait3A_153] : memref<122880x128xf32, #tpu.memory_space<hbm>> -> memref<128x128xf32, #tpu.memory_space<hbm>>
      tpu.wait_dma2 semaphore(%arg19 : memref<!tpu.dma_semaphore, #tpu.memory_space<semaphore_mem>>) src(%arg10 : memref<128x128xf32, #tpu.memory_space<vmem>>) dst(%dma_wait3A_154 : memref<128x128xf32, #tpu.memory_space<hbm>>)
      %dma_wait3A_155 = arith.constant 0 : i32
      %dma_wait3A_156 = tpu.memref_slice %arg5[%mul3A_2, %dma_wait3A_155] : memref<122880x128xf32, #tpu.memory_space<hbm>> -> memref<128x128xf32, #tpu.memory_space<hbm>>
      %dma_wait3A_157 = arith.constant 0 : i32
      %dma_wait3A_158 = tpu.memref_slice %arg5[%mul3A_2, %dma_wait3A_157] : memref<122880x128xf32, #tpu.memory_space<hbm>> -> memref<128x128xf32, #tpu.memory_space<hbm>>
      tpu.wait_dma2 semaphore(%arg19 : memref<!tpu.dma_semaphore, #tpu.memory_space<semaphore_mem>>) src(%arg11 : memref<128x128xf32, #tpu.memory_space<vmem>>) dst(%dma_wait3A_158 : memref<128x128xf32, #tpu.memory_space<hbm>>)
      %dma_wait3A_159 = arith.constant 0 : i32
      %dma_wait3A_160 = tpu.memref_slice %arg5[%mul3A_2, %dma_wait3A_159] : memref<122880x128xf32, #tpu.memory_space<hbm>> -> memref<128x128xf32, #tpu.memory_space<hbm>>
      %dma_wait3A_161 = arith.constant 0 : i32
      %dma_wait3A_162 = tpu.memref_slice %arg5[%mul3A_2, %dma_wait3A_161] : memref<122880x128xf32, #tpu.memory_space<hbm>> -> memref<128x128xf32, #tpu.memory_space<hbm>>
      tpu.wait_dma2 semaphore(%arg19 : memref<!tpu.dma_semaphore, #tpu.memory_space<semaphore_mem>>) src(%arg12 : memref<128x128xf32, #tpu.memory_space<vmem>>) dst(%dma_wait3A_162 : memref<128x128xf32, #tpu.memory_space<hbm>>)
      %add3A_163 = arith.constant 2 : i32
      %add3A_164 = arith.addi %mul3A_62, %add3A_163 : i32
      %lt3A = arith.constant 10 : i32
      %lt3A_165 = arith.cmpi slt, %add3A_164, %lt3A : i32
      %convert_element_type3A = arith.extui %lt3A_165 : i1 to i32
      %cond3A = arith.constant 0 : i32
      %cond3A_166 = arith.cmpi ne, %convert_element_type3A, %cond3A : i32
      scf.if %cond3A_166 {
        %add3A_187 = arith.constant 2 : i32
        %add3A_188 = arith.addi %mul3A_62, %add3A_187 : i32
        %mul3A_189 = arith.constant 128 : i32
        %mul3A_190 = arith.muli %add3A_188, %mul3A_189 : i32
        %dma_start3A_191 = tpu.memref_slice %arg7[%mul3A_190] : memref<1280xi32, #tpu.memory_space<vmem>> -> memref<128xi32, #tpu.memory_space<vmem>>
        %dma_start3A_192 = arith.constant 0 : i32
        %dma_start3A_193 = arith.constant 0 : i32
        %dma_start3A_194 = tpu.memref_slice %arg3[%dma_start3A_192, %dma_start3A_193] : memref<200000x128xf32, #tpu.memory_space<hbm>> -> memref<200000x128xf32, #tpu.memory_space<hbm>>
        tpu.enqueue_indirect_dma source(%dma_start3A_194 : memref<200000x128xf32, #tpu.memory_space<hbm>>) target(%arg10 : memref<128x128xf32, #tpu.memory_space<vmem>>) offsets(%dma_start3A_191 : memref<128xi32, #tpu.memory_space<vmem>>) semaphore(%arg18 : memref<!tpu.dma_semaphore, #tpu.memory_space<semaphore_mem>>)
        %dma_start3A_195 = tpu.memref_slice %arg8[%mul3A_190] : memref<1280xi32, #tpu.memory_space<vmem>> -> memref<128xi32, #tpu.memory_space<vmem>>
        %dma_start3A_196 = arith.constant 0 : i32
        %dma_start3A_197 = arith.constant 0 : i32
        %dma_start3A_198 = tpu.memref_slice %arg3[%dma_start3A_196, %dma_start3A_197] : memref<200000x128xf32, #tpu.memory_space<hbm>> -> memref<200000x128xf32, #tpu.memory_space<hbm>>
        tpu.enqueue_indirect_dma source(%dma_start3A_198 : memref<200000x128xf32, #tpu.memory_space<hbm>>) target(%arg11 : memref<128x128xf32, #tpu.memory_space<vmem>>) offsets(%dma_start3A_195 : memref<128xi32, #tpu.memory_space<vmem>>) semaphore(%arg18 : memref<!tpu.dma_semaphore, #tpu.memory_space<semaphore_mem>>)
        %dma_start3A_199 = tpu.memref_slice %arg9[%mul3A_190] : memref<1280xi32, #tpu.memory_space<vmem>> -> memref<128xi32, #tpu.memory_space<vmem>>
        %dma_start3A_200 = arith.constant 0 : i32
        %dma_start3A_201 = arith.constant 0 : i32
        %dma_start3A_202 = tpu.memref_slice %arg3[%dma_start3A_200, %dma_start3A_201] : memref<200000x128xf32, #tpu.memory_space<hbm>> -> memref<200000x128xf32, #tpu.memory_space<hbm>>
        tpu.enqueue_indirect_dma source(%dma_start3A_202 : memref<200000x128xf32, #tpu.memory_space<hbm>>) target(%arg12 : memref<128x128xf32, #tpu.memory_space<vmem>>) offsets(%dma_start3A_199 : memref<128xi32, #tpu.memory_space<vmem>>) semaphore(%arg18 : memref<!tpu.dma_semaphore, #tpu.memory_space<semaphore_mem>>)
      } else {
      }
      %dma_wait3A_167 = arith.constant 0 : i32
      %dma_wait3A_168 = tpu.memref_slice %arg5[%mul3A_2, %dma_wait3A_167] : memref<122880x128xf32, #tpu.memory_space<hbm>> -> memref<128x128xf32, #tpu.memory_space<hbm>>
      %dma_wait3A_169 = arith.constant 0 : i32
      %dma_wait3A_170 = tpu.memref_slice %arg5[%mul3A_2, %dma_wait3A_169] : memref<122880x128xf32, #tpu.memory_space<hbm>> -> memref<128x128xf32, #tpu.memory_space<hbm>>
      tpu.wait_dma2 semaphore(%arg19 : memref<!tpu.dma_semaphore, #tpu.memory_space<semaphore_mem>>) src(%arg13 : memref<128x128xf32, #tpu.memory_space<vmem>>) dst(%dma_wait3A_170 : memref<128x128xf32, #tpu.memory_space<hbm>>)
      %dma_wait3A_171 = arith.constant 0 : i32
      %dma_wait3A_172 = tpu.memref_slice %arg5[%mul3A_2, %dma_wait3A_171] : memref<122880x128xf32, #tpu.memory_space<hbm>> -> memref<128x128xf32, #tpu.memory_space<hbm>>
      %dma_wait3A_173 = arith.constant 0 : i32
      %dma_wait3A_174 = tpu.memref_slice %arg5[%mul3A_2, %dma_wait3A_173] : memref<122880x128xf32, #tpu.memory_space<hbm>> -> memref<128x128xf32, #tpu.memory_space<hbm>>
      tpu.wait_dma2 semaphore(%arg19 : memref<!tpu.dma_semaphore, #tpu.memory_space<semaphore_mem>>) src(%arg14 : memref<128x128xf32, #tpu.memory_space<vmem>>) dst(%dma_wait3A_174 : memref<128x128xf32, #tpu.memory_space<hbm>>)
      %dma_wait3A_175 = arith.constant 0 : i32
      %dma_wait3A_176 = tpu.memref_slice %arg5[%mul3A_2, %dma_wait3A_175] : memref<122880x128xf32, #tpu.memory_space<hbm>> -> memref<128x128xf32, #tpu.memory_space<hbm>>
      %dma_wait3A_177 = arith.constant 0 : i32
      %dma_wait3A_178 = tpu.memref_slice %arg5[%mul3A_2, %dma_wait3A_177] : memref<122880x128xf32, #tpu.memory_space<hbm>> -> memref<128x128xf32, #tpu.memory_space<hbm>>
      tpu.wait_dma2 semaphore(%arg19 : memref<!tpu.dma_semaphore, #tpu.memory_space<semaphore_mem>>) src(%arg15 : memref<128x128xf32, #tpu.memory_space<vmem>>) dst(%dma_wait3A_178 : memref<128x128xf32, #tpu.memory_space<hbm>>)
      %add3A_179 = arith.constant 2 : i32
      %add3A_180 = arith.addi %add3A_66, %add3A_179 : i32
      %lt3A_181 = arith.constant 10 : i32
      %lt3A_182 = arith.cmpi slt, %add3A_180, %lt3A_181 : i32
      %convert_element_type3A_183 = arith.extui %lt3A_182 : i1 to i32
      %cond3A_184 = arith.constant 0 : i32
      %cond3A_185 = arith.cmpi ne, %convert_element_type3A_183, %cond3A_184 : i32
      scf.if %cond3A_185 {
        %add3A_187 = arith.constant 2 : i32
        %add3A_188 = arith.addi %add3A_66, %add3A_187 : i32
        %mul3A_189 = arith.constant 128 : i32
        %mul3A_190 = arith.muli %add3A_188, %mul3A_189 : i32
        %dma_start3A_191 = tpu.memref_slice %arg7[%mul3A_190] : memref<1280xi32, #tpu.memory_space<vmem>> -> memref<128xi32, #tpu.memory_space<vmem>>
        %dma_start3A_192 = arith.constant 0 : i32
        %dma_start3A_193 = arith.constant 0 : i32
        %dma_start3A_194 = tpu.memref_slice %arg3[%dma_start3A_192, %dma_start3A_193] : memref<200000x128xf32, #tpu.memory_space<hbm>> -> memref<200000x128xf32, #tpu.memory_space<hbm>>
        tpu.enqueue_indirect_dma source(%dma_start3A_194 : memref<200000x128xf32, #tpu.memory_space<hbm>>) target(%arg13 : memref<128x128xf32, #tpu.memory_space<vmem>>) offsets(%dma_start3A_191 : memref<128xi32, #tpu.memory_space<vmem>>) semaphore(%arg18 : memref<!tpu.dma_semaphore, #tpu.memory_space<semaphore_mem>>)
        %dma_start3A_195 = tpu.memref_slice %arg8[%mul3A_190] : memref<1280xi32, #tpu.memory_space<vmem>> -> memref<128xi32, #tpu.memory_space<vmem>>
        %dma_start3A_196 = arith.constant 0 : i32
        %dma_start3A_197 = arith.constant 0 : i32
        %dma_start3A_198 = tpu.memref_slice %arg3[%dma_start3A_196, %dma_start3A_197] : memref<200000x128xf32, #tpu.memory_space<hbm>> -> memref<200000x128xf32, #tpu.memory_space<hbm>>
        tpu.enqueue_indirect_dma source(%dma_start3A_198 : memref<200000x128xf32, #tpu.memory_space<hbm>>) target(%arg14 : memref<128x128xf32, #tpu.memory_space<vmem>>) offsets(%dma_start3A_195 : memref<128xi32, #tpu.memory_space<vmem>>) semaphore(%arg18 : memref<!tpu.dma_semaphore, #tpu.memory_space<semaphore_mem>>)
        %dma_start3A_199 = tpu.memref_slice %arg9[%mul3A_190] : memref<1280xi32, #tpu.memory_space<vmem>> -> memref<128xi32, #tpu.memory_space<vmem>>
        %dma_start3A_200 = arith.constant 0 : i32
        %dma_start3A_201 = arith.constant 0 : i32
        %dma_start3A_202 = tpu.memref_slice %arg3[%dma_start3A_200, %dma_start3A_201] : memref<200000x128xf32, #tpu.memory_space<hbm>> -> memref<200000x128xf32, #tpu.memory_space<hbm>>
        tpu.enqueue_indirect_dma source(%dma_start3A_202 : memref<200000x128xf32, #tpu.memory_space<hbm>>) target(%arg15 : memref<128x128xf32, #tpu.memory_space<vmem>>) offsets(%dma_start3A_199 : memref<128xi32, #tpu.memory_space<vmem>>) semaphore(%arg18 : memref<!tpu.dma_semaphore, #tpu.memory_space<semaphore_mem>>)
      } else {
      }
      %scan3A_186 = arith.constant 0 : i32
      scf.yield %scan3A_186 : i32
    }
    %scan3A_49 = arith.constant 5 : i32
    %dma_wait3A = arith.constant 0 : i32
    %dma_wait3A_50 = tpu.memref_slice %arg8[%dma_wait3A] : memref<1280xi32, #tpu.memory_space<vmem>> -> memref<1280xi32, #tpu.memory_space<vmem>>
    %dma_wait3A_51 = arith.constant 0 : i32
    %dma_wait3A_52 = tpu.memref_slice %arg4[%dma_wait3A_51] : memref<200000xf32, #tpu.memory_space<hbm>> -> memref<200000xf32, #tpu.memory_space<hbm>>
    tpu.wait_indirect_dma semaphore(%arg20 : memref<!tpu.dma_semaphore, #tpu.memory_space<semaphore_mem>>) src(%dma_wait3A_52 : memref<200000xf32, #tpu.memory_space<hbm>>) dst(%arg16 : memref<1280xf32, #tpu.memory_space<vmem>>)
    %dma_wait3A_53 = arith.constant 0 : i32
    %dma_wait3A_54 = tpu.memref_slice %arg9[%dma_wait3A_53] : memref<1280xi32, #tpu.memory_space<vmem>> -> memref<1280xi32, #tpu.memory_space<vmem>>
    %dma_wait3A_55 = arith.constant 0 : i32
    %dma_wait3A_56 = tpu.memref_slice %arg4[%dma_wait3A_55] : memref<200000xf32, #tpu.memory_space<hbm>> -> memref<200000xf32, #tpu.memory_space<hbm>>
    tpu.wait_indirect_dma semaphore(%arg20 : memref<!tpu.dma_semaphore, #tpu.memory_space<semaphore_mem>>) src(%dma_wait3A_56 : memref<200000xf32, #tpu.memory_space<hbm>>) dst(%arg17 : memref<1280xf32, #tpu.memory_space<vmem>>)
    "tpu.region"() ({
      %run_scoped3A = tpu.sem_alloc : memref<!tpu.dma_semaphore, #tpu.memory_space<semaphore_mem>>
      %dma_start3A_59 = tpu.memref_slice %arg6[%mul3A_2] : memref<81920xf32, #tpu.memory_space<hbm>> -> memref<1280xf32, #tpu.memory_space<hbm>>
      %dma_start3A_60 = tpu.memref_slice %arg6[%mul3A_2] : memref<81920xf32, #tpu.memory_space<hbm>> -> memref<1280xf32, #tpu.memory_space<hbm>>
      tpu.enqueue_dma source(%arg16 : memref<1280xf32, #tpu.memory_space<vmem>>) target(%dma_start3A_60 : memref<1280xf32, #tpu.memory_space<hbm>>) target_semaphore(%run_scoped3A : memref<!tpu.dma_semaphore, #tpu.memory_space<semaphore_mem>>)
      %dma_wait3A_61 = tpu.memref_slice %arg6[%mul3A_2] : memref<81920xf32, #tpu.memory_space<hbm>> -> memref<1280xf32, #tpu.memory_space<hbm>>
      %dma_wait3A_62 = tpu.memref_slice %arg6[%mul3A_2] : memref<81920xf32, #tpu.memory_space<hbm>> -> memref<1280xf32, #tpu.memory_space<hbm>>
      tpu.wait_dma2 semaphore(%run_scoped3A : memref<!tpu.dma_semaphore, #tpu.memory_space<semaphore_mem>>) src(%arg16 : memref<1280xf32, #tpu.memory_space<vmem>>) dst(%dma_wait3A_62 : memref<1280xf32, #tpu.memory_space<hbm>>)
      tpu.yield
    }) : () -> ()
    %add3A_57 = arith.constant 40960 : i32
    %add3A_58 = arith.addi %add3A_57, %mul3A_2 : i32
    "tpu.region"() ({
      %run_scoped3A = tpu.sem_alloc : memref<!tpu.dma_semaphore, #tpu.memory_space<semaphore_mem>>
      %dma_start3A_59 = tpu.memref_slice %arg6[%add3A_58] : memref<81920xf32, #tpu.memory_space<hbm>> -> memref<1280xf32, #tpu.memory_space<hbm>>
      %dma_start3A_60 = tpu.memref_slice %arg6[%add3A_58] : memref<81920xf32, #tpu.memory_space<hbm>> -> memref<1280xf32, #tpu.memory_space<hbm>>
      tpu.enqueue_dma source(%arg17 : memref<1280xf32, #tpu.memory_space<vmem>>) target(%dma_start3A_60 : memref<1280xf32, #tpu.memory_space<hbm>>) target_semaphore(%run_scoped3A : memref<!tpu.dma_semaphore, #tpu.memory_space<semaphore_mem>>)
      %dma_wait3A_61 = tpu.memref_slice %arg6[%add3A_58] : memref<81920xf32, #tpu.memory_space<hbm>> -> memref<1280xf32, #tpu.memory_space<hbm>>
      %dma_wait3A_62 = tpu.memref_slice %arg6[%add3A_58] : memref<81920xf32, #tpu.memory_space<hbm>> -> memref<1280xf32, #tpu.memory_space<hbm>>
      tpu.wait_dma2 semaphore(%run_scoped3A : memref<!tpu.dma_semaphore, #tpu.memory_space<semaphore_mem>>) src(%arg17 : memref<1280xf32, #tpu.memory_space<vmem>>) dst(%dma_wait3A_62 : memref<1280xf32, #tpu.memory_space<hbm>>)
      tpu.yield
    }) : () -> ()
    return
  }
}

module attributes {stable_mosaic.version = 14 : i64} {
  func.func @_loss_body(%arg0: i32, %arg1: memref<4096x128xf32, #tpu.memory_space<vmem>>, %arg2: memref<4096x128xf32, #tpu.memory_space<vmem>>, %arg3: memref<4096x128xf32, #tpu.memory_space<vmem>>, %arg4: memref<4096xf32, #tpu.memory_space<vmem>>, %arg5: memref<4096xf32, #tpu.memory_space<vmem>>, %arg6: memref<4096xf32, #tpu.memory_space<vmem>>, %arg7: memref<1x1xf32, #tpu.memory_space<vmem>>) attributes {dimension_semantics = [#tpu.dimension_semantics<arbitrary>], iteration_bounds = array<i64: 10>, scalar_prefetch = 0 : i64, scratch_operands = 0 : i64, tpu.core_type = #tpu.core_type<tc>, window_params = [{transform_indices = @transform_0, window_bounds = array<i64: 4096, 128>}, {transform_indices = @transform_1, window_bounds = array<i64: 4096, 128>}, {transform_indices = @transform_2, window_bounds = array<i64: 4096, 128>}, {transform_indices = @transform_3, window_bounds = array<i64: 4096>}, {transform_indices = @transform_4, window_bounds = array<i64: 4096>}, {transform_indices = @transform_5, window_bounds = array<i64: 4096>}, {pipeline_mode = #tpu.pipeline_mode<synchronous>, transform_indices = @transform_6, window_bounds = array<i64: 1, 1>}]} {
    %get3A = arith.constant 0 : index
    %get3A_0 = arith.constant 0 : index
    %get3A_1 = vector.load %arg1[%get3A, %get3A_0] : memref<4096x128xf32, #tpu.memory_space<vmem>>, vector<4096x128xf32>
    %get3A_2 = arith.constant 0 : index
    %get3A_3 = arith.constant 0 : index
    %get3A_4 = vector.load %arg2[%get3A_2, %get3A_3] : memref<4096x128xf32, #tpu.memory_space<vmem>>, vector<4096x128xf32>
    %get3A_5 = arith.constant 0 : index
    %get3A_6 = arith.constant 0 : index
    %get3A_7 = vector.load %arg3[%get3A_5, %get3A_6] : memref<4096x128xf32, #tpu.memory_space<vmem>>, vector<4096x128xf32>
    %slice3A = vector.extract_strided_slice %get3A_1 {offsets = [0, 0], sizes = [4096, 64], strides = [1, 1]} : vector<4096x128xf32> to vector<4096x64xf32>
    %slice3A_8 = vector.extract_strided_slice %get3A_4 {offsets = [0, 0], sizes = [4096, 64], strides = [1, 1]} : vector<4096x128xf32> to vector<4096x64xf32>
    %mul3A = arith.mulf %slice3A, %slice3A_8 : vector<4096x64xf32>
    %reduce_sum3A = arith.constant dense<0.000000e+00> : vector<4096xf32>
    %reduce_sum3A_9 = vector.multi_reduction <add>, %mul3A, %reduce_sum3A [1] : vector<4096x64xf32> to vector<4096xf32>
    %slice3A_10 = vector.extract_strided_slice %get3A_1 {offsets = [0, 0], sizes = [4096, 64], strides = [1, 1]} : vector<4096x128xf32> to vector<4096x64xf32>
    %slice3A_11 = vector.extract_strided_slice %get3A_7 {offsets = [0, 0], sizes = [4096, 64], strides = [1, 1]} : vector<4096x128xf32> to vector<4096x64xf32>
    %mul3A_12 = arith.mulf %slice3A_10, %slice3A_11 : vector<4096x64xf32>
    %reduce_sum3A_13 = arith.constant dense<0.000000e+00> : vector<4096xf32>
    %reduce_sum3A_14 = vector.multi_reduction <add>, %mul3A_12, %reduce_sum3A_13 [1] : vector<4096x64xf32> to vector<4096xf32>
    %slice3A_15 = vector.extract_strided_slice %get3A_1 {offsets = [0, 64], sizes = [4096, 64], strides = [1, 1]} : vector<4096x128xf32> to vector<4096x64xf32>
    %slice3A_16 = vector.extract_strided_slice %get3A_4 {offsets = [0, 64], sizes = [4096, 64], strides = [1, 1]} : vector<4096x128xf32> to vector<4096x64xf32>
    %mul3A_17 = arith.mulf %slice3A_15, %slice3A_16 : vector<4096x64xf32>
    %reduce_sum3A_18 = arith.constant dense<0.000000e+00> : vector<4096xf32>
    %reduce_sum3A_19 = vector.multi_reduction <add>, %mul3A_17, %reduce_sum3A_18 [1] : vector<4096x64xf32> to vector<4096xf32>
    %slice3A_20 = vector.extract_strided_slice %get3A_1 {offsets = [0, 64], sizes = [4096, 64], strides = [1, 1]} : vector<4096x128xf32> to vector<4096x64xf32>
    %slice3A_21 = vector.extract_strided_slice %get3A_7 {offsets = [0, 64], sizes = [4096, 64], strides = [1, 1]} : vector<4096x128xf32> to vector<4096x64xf32>
    %mul3A_22 = arith.mulf %slice3A_20, %slice3A_21 : vector<4096x64xf32>
    %reduce_sum3A_23 = arith.constant dense<0.000000e+00> : vector<4096xf32>
    %reduce_sum3A_24 = vector.multi_reduction <add>, %mul3A_22, %reduce_sum3A_23 [1] : vector<4096x64xf32> to vector<4096xf32>
    %get3A_25 = arith.constant 0 : index
    %get3A_26 = vector.load %arg6[%get3A_25] : memref<4096xf32, #tpu.memory_space<vmem>>, vector<4096xf32>
    %sub3A = arith.subf %reduce_sum3A_9, %reduce_sum3A_14 : vector<4096xf32>
    %min3A = arith.constant 0.000000e+00 : f32
    %min3A_27 = vector.broadcast %min3A : f32 to vector<4096xf32>
    %min3A_28 = arith.minimumf %sub3A, %min3A_27 : vector<4096xf32>
    %abs3A = math.absf %sub3A : vector<4096xf32>
    %neg3A = arith.constant 0.000000e+00 : f32
    %neg3A_29 = vector.broadcast %neg3A : f32 to vector<4096xf32>
    %neg3A_30 = arith.subf %neg3A_29, %abs3A : vector<4096xf32>
    %exp3A = math.exp %neg3A_30 : vector<4096xf32>
    %log1p3A = math.log1p %exp3A : vector<4096xf32>
    %sub3A_31 = arith.subf %min3A_28, %log1p3A : vector<4096xf32>
    %mul3A_32 = arith.mulf %get3A_26, %sub3A_31 : vector<4096xf32>
    %reduce_sum3A_33 = vector.shape_cast %mul3A_32 : vector<4096xf32> to vector<1x4096xf32>
    %reduce_sum3A_34 = arith.constant dense<0.000000e+00> : vector<1xf32>
    %reduce_sum3A_35 = vector.multi_reduction <add>, %reduce_sum3A_33, %reduce_sum3A_34 [1] : vector<1x4096xf32> to vector<1xf32>
    %reduce_sum3A_36 = vector.shape_cast %reduce_sum3A_35 : vector<1xf32> to vector<1x1xf32>
    %reduce_sum3A_37 = vector.extract %reduce_sum3A_36[0, 0] : f32 from vector<1x1xf32>
    %neg3A_38 = arith.constant 0.000000e+00 : f32
    %neg3A_39 = arith.subf %neg3A_38, %reduce_sum3A_37 : f32
    %sub3A_40 = arith.subf %reduce_sum3A_24, %reduce_sum3A_19 : vector<4096xf32>
    %min3A_41 = arith.constant 0.000000e+00 : f32
    %min3A_42 = vector.broadcast %min3A_41 : f32 to vector<4096xf32>
    %min3A_43 = arith.minimumf %sub3A_40, %min3A_42 : vector<4096xf32>
    %abs3A_44 = math.absf %sub3A_40 : vector<4096xf32>
    %neg3A_45 = arith.constant 0.000000e+00 : f32
    %neg3A_46 = vector.broadcast %neg3A_45 : f32 to vector<4096xf32>
    %neg3A_47 = arith.subf %neg3A_46, %abs3A_44 : vector<4096xf32>
    %exp3A_48 = math.exp %neg3A_47 : vector<4096xf32>
    %log1p3A_49 = math.log1p %exp3A_48 : vector<4096xf32>
    %sub3A_50 = arith.subf %min3A_43, %log1p3A_49 : vector<4096xf32>
    %mul3A_51 = arith.mulf %get3A_26, %sub3A_50 : vector<4096xf32>
    %reduce_sum3A_52 = vector.shape_cast %mul3A_51 : vector<4096xf32> to vector<1x4096xf32>
    %reduce_sum3A_53 = arith.constant dense<0.000000e+00> : vector<1xf32>
    %reduce_sum3A_54 = vector.multi_reduction <add>, %reduce_sum3A_52, %reduce_sum3A_53 [1] : vector<1x4096xf32> to vector<1xf32>
    %reduce_sum3A_55 = vector.shape_cast %reduce_sum3A_54 : vector<1xf32> to vector<1x1xf32>
    %reduce_sum3A_56 = vector.extract %reduce_sum3A_55[0, 0] : f32 from vector<1x1xf32>
    %sub3A_57 = arith.constant 1.000000e+00 : f32
    %sub3A_58 = vector.broadcast %sub3A_57 : f32 to vector<4096xf32>
    %sub3A_59 = arith.subf %sub3A_58, %get3A_26 : vector<4096xf32>
    %sub3A_60 = arith.subf %reduce_sum3A_19, %reduce_sum3A_24 : vector<4096xf32>
    %min3A_61 = arith.constant 0.000000e+00 : f32
    %min3A_62 = vector.broadcast %min3A_61 : f32 to vector<4096xf32>
    %min3A_63 = arith.minimumf %sub3A_60, %min3A_62 : vector<4096xf32>
    %abs3A_64 = math.absf %sub3A_60 : vector<4096xf32>
    %neg3A_65 = arith.constant 0.000000e+00 : f32
    %neg3A_66 = vector.broadcast %neg3A_65 : f32 to vector<4096xf32>
    %neg3A_67 = arith.subf %neg3A_66, %abs3A_64 : vector<4096xf32>
    %exp3A_68 = math.exp %neg3A_67 : vector<4096xf32>
    %log1p3A_69 = math.log1p %exp3A_68 : vector<4096xf32>
    %sub3A_70 = arith.subf %min3A_63, %log1p3A_69 : vector<4096xf32>
    %mul3A_71 = arith.mulf %sub3A_59, %sub3A_70 : vector<4096xf32>
    %reduce_sum3A_72 = vector.shape_cast %mul3A_71 : vector<4096xf32> to vector<1x4096xf32>
    %reduce_sum3A_73 = arith.constant dense<0.000000e+00> : vector<1xf32>
    %reduce_sum3A_74 = vector.multi_reduction <add>, %reduce_sum3A_72, %reduce_sum3A_73 [1] : vector<1x4096xf32> to vector<1xf32>
    %reduce_sum3A_75 = vector.shape_cast %reduce_sum3A_74 : vector<1xf32> to vector<1x1xf32>
    %reduce_sum3A_76 = vector.extract %reduce_sum3A_75[0, 0] : f32 from vector<1x1xf32>
    %add3A = arith.addf %reduce_sum3A_56, %reduce_sum3A_76 : f32
    %neg3A_77 = arith.constant 0.000000e+00 : f32
    %neg3A_78 = arith.subf %neg3A_77, %add3A : f32
    %get3A_79 = arith.constant 0 : index
    %get3A_80 = vector.load %arg4[%get3A_79] : memref<4096xf32, #tpu.memory_space<vmem>>, vector<4096xf32>
    %add3A_81 = arith.addf %reduce_sum3A_9, %reduce_sum3A_19 : vector<4096xf32>
    %mul3A_82 = arith.mulf %get3A_80, %add3A_81 : vector<4096xf32>
    %get3A_83 = arith.constant 0 : index
    %get3A_84 = vector.load %arg5[%get3A_83] : memref<4096xf32, #tpu.memory_space<vmem>>, vector<4096xf32>
    %add3A_85 = arith.addf %reduce_sum3A_14, %reduce_sum3A_24 : vector<4096xf32>
    %mul3A_86 = arith.mulf %get3A_84, %add3A_85 : vector<4096xf32>
    %sub3A_87 = arith.subf %mul3A_82, %mul3A_86 : vector<4096xf32>
    %min3A_88 = arith.constant 0.000000e+00 : f32
    %min3A_89 = vector.broadcast %min3A_88 : f32 to vector<4096xf32>
    %min3A_90 = arith.minimumf %sub3A_87, %min3A_89 : vector<4096xf32>
    %abs3A_91 = math.absf %sub3A_87 : vector<4096xf32>
    %neg3A_92 = arith.constant 0.000000e+00 : f32
    %neg3A_93 = vector.broadcast %neg3A_92 : f32 to vector<4096xf32>
    %neg3A_94 = arith.subf %neg3A_93, %abs3A_91 : vector<4096xf32>
    %exp3A_95 = math.exp %neg3A_94 : vector<4096xf32>
    %log1p3A_96 = math.log1p %exp3A_95 : vector<4096xf32>
    %sub3A_97 = arith.subf %min3A_90, %log1p3A_96 : vector<4096xf32>
    %reduce_sum3A_98 = vector.shape_cast %sub3A_97 : vector<4096xf32> to vector<1x4096xf32>
    %reduce_sum3A_99 = arith.constant dense<0.000000e+00> : vector<1xf32>
    %reduce_sum3A_100 = vector.multi_reduction <add>, %reduce_sum3A_98, %reduce_sum3A_99 [1] : vector<1x4096xf32> to vector<1xf32>
    %reduce_sum3A_101 = vector.shape_cast %reduce_sum3A_100 : vector<1xf32> to vector<1x1xf32>
    %reduce_sum3A_102 = vector.extract %reduce_sum3A_101[0, 0] : f32 from vector<1x1xf32>
    %neg3A_103 = arith.constant 0.000000e+00 : f32
    %neg3A_104 = arith.subf %neg3A_103, %reduce_sum3A_102 : f32
    %mul3A_105 = arith.constant 1.000000e-01 : f32
    %mul3A_106 = arith.mulf %mul3A_105, %neg3A_39 : f32
    %mul3A_107 = arith.constant 1.000000e-01 : f32
    %mul3A_108 = arith.mulf %mul3A_107, %neg3A_78 : f32
    %add3A_109 = arith.addf %mul3A_106, %mul3A_108 : f32
    %mul3A_110 = arith.constant 2.000000e-01 : f32
    %mul3A_111 = arith.mulf %mul3A_110, %neg3A_104 : f32
    %add3A_112 = arith.addf %add3A_109, %mul3A_111 : f32
    %mul3A_113 = arith.constant 1.22070314E-5 : f32
    %mul3A_114 = arith.mulf %add3A_112, %mul3A_113 : f32
    %eq3A = arith.constant 0 : i32
    %eq3A_115 = arith.cmpi eq, %arg0, %eq3A : i32
    %convert_element_type3A = arith.extui %eq3A_115 : i1 to i32
    %cond3A = arith.constant 0 : i32
    %cond3A_116 = arith.cmpi ne, %convert_element_type3A, %cond3A : i32
    scf.if %cond3A_116 {
      %broadcast_in_dim3A = arith.constant 0.000000e+00 : f32
      %broadcast_in_dim3A_123 = vector.broadcast %broadcast_in_dim3A : f32 to vector<1x1xf32>
      %swap3A_124 = arith.constant 0 : index
      %swap3A_125 = arith.constant 0 : index
      %swap3A_126 = vector.load %arg7[%swap3A_124, %swap3A_125] : memref<1x1xf32, #tpu.memory_space<vmem>>, vector<1x1xf32>
      tpu.vector_store %arg7[%swap3A_124, %swap3A_125], %broadcast_in_dim3A_123 {strides = array<i32>} : memref<1x1xf32, #tpu.memory_space<vmem>>, vector<1x1xf32>,
    } else {
    }
    %get3A_117 = arith.constant 0 : index
    %get3A_118 = arith.constant 0 : index
    %get3A_119 = vector.load %arg7[%get3A_117, %get3A_118] : memref<1x1xf32, #tpu.memory_space<vmem>>, vector<1x1xf32>
    %reshape3A = vector.broadcast %mul3A_114 : f32 to vector<1x1xf32>
    %add3A_120 = arith.addf %get3A_119, %reshape3A : vector<1x1xf32>
    %swap3A = arith.constant 0 : index
    %swap3A_121 = arith.constant 0 : index
    %swap3A_122 = vector.load %arg7[%swap3A, %swap3A_121] : memref<1x1xf32, #tpu.memory_space<vmem>>, vector<1x1xf32>
    tpu.vector_store %arg7[%swap3A, %swap3A_121], %add3A_120 {strides = array<i32>} : memref<1x1xf32, #tpu.memory_space<vmem>>, vector<1x1xf32>,
    return
  }
  func.func @transform_0(%arg0: i32) -> (i32, i32) {
    %add3A = arith.constant 0 : i32
    %add3A_0 = arith.addi %arg0, %add3A : i32
    %c0_i32 = arith.constant 0 : i32
    %c0_i32_1 = arith.constant 0 : i32
    return %add3A_0, %c0_i32 : i32, i32
  }
  func.func @transform_1(%arg0: i32) -> (i32, i32) {
    %add3A = arith.constant 10 : i32
    %add3A_0 = arith.addi %arg0, %add3A : i32
    %c0_i32 = arith.constant 0 : i32
    %c0_i32_1 = arith.constant 0 : i32
    return %add3A_0, %c0_i32 : i32, i32
  }
  func.func @transform_2(%arg0: i32) -> (i32, i32) {
    %add3A = arith.constant 20 : i32
    %add3A_0 = arith.addi %arg0, %add3A : i32
    %c0_i32 = arith.constant 0 : i32
    %c0_i32_1 = arith.constant 0 : i32
    return %add3A_0, %c0_i32 : i32, i32
  }
  func.func @transform_3(%arg0: i32) -> i32 {
    %add3A = arith.constant 0 : i32
    %add3A_0 = arith.addi %arg0, %add3A : i32
    %c0_i32 = arith.constant 0 : i32
    return %add3A_0 : i32
  }
  func.func @transform_4(%arg0: i32) -> i32 {
    %add3A = arith.constant 10 : i32
    %add3A_0 = arith.addi %arg0, %add3A : i32
    %c0_i32 = arith.constant 0 : i32
    return %add3A_0 : i32
  }
  func.func @transform_5(%arg0: i32) -> i32 {
    %add3A = arith.constant 0 : i32
    %add3A_0 = arith.addi %arg0, %add3A : i32
    %c0_i32 = arith.constant 0 : i32
    return %add3A_0 : i32
  }
  func.func @transform_6(%arg0: i32) -> (i32, i32) {
    %c0_i32 = arith.constant 0 : i32
    %c0_i32_0 = arith.constant 0 : i32
    %c0_i32_1 = arith.constant 0 : i32
    return %c0_i32, %c0_i32_0 : i32, i32
  }
}

</mosaic_0001>

<sc_bundles>
// kernel: kernel.6.cloned.1.call-start
scs
__scs_entry_jumppad:
0x0: {  	(pc) =	sbr.rel $0x88, $3  }
0x1: {  	(tag) =	ssettag $0x0;
	lr =	simm.s32 $0x1  }
0x2: {  	[smem:$0x3F97] =	sst lr;
	_ =	strace $0xD0000000  }
0x3: {  	_ = 	snop  }
0x4: {  	_ = 	snop  }
0x5: {  	_ = 	snop  }
0x6: {  	_ = 	snop  }
0x7: {  	_ = 	snop  }
__scs_overlays_trampoline_lowered:
0x8: {  	[smem:$0x3FA6] =	sst s0  }
0x9: {  	[smem:$0x3FA7] =	sst s1  }
0xa: {  	[smem:$0x3FA8] =	sst s2  }
0xb: {  	[smem:$0x3FA9] =	sst s3  }
0xc: {  	[smem:$0x3FAA] =	sst s4  }
0xd: {  	[smem:$0x3FAB] =	sst s5  }
0xe: {  	[smem:$0x3FAC] =	sst s6  }
0xf: {  	[smem:$0x3FAD] =	sst s7  }
0x10: {  	[smem:$0x3FAE] =	sst s8  }
0x11: {  	[smem:$0x3FAF] =	sst s9;
	s0 =	simm.s32 @!p0 $0x0  }
0x12: {  	s1 =	sld [smem:$0x3F95];
	s0 =	simm.s32 @p0 $0x1  }
0x13: {  	[smem:$0x3FB0] =	sst s0;
	s0 =	simm.s32 @!p1 $0x0  }
0x14: {  	s2 =	sld [smem:$0x3F94];
	s0 =	simm.s32 @p1 $0x1  }
0x15: {  	[smem:$0x3FB1] =	sst s0;
	s0 =	simm.s32 @!p2 $0x0  }
0x16: {  	s3 =	sld [smem:$0x3FDB];
	s0 =	simm.s32 @p2 $0x1  }
0x17: {  	s4 =	simm.s32 $0x1BF5;
	[smem:$0x3FB3] =	sst s0  }
0x18: {  	s0 =	sld [smem:$0x3F96];
	_ =	swait.ge [sflag:s4], $0x0  }
0x19: {  	s7 =	sld [smem:$0x3F97]  }
0x1a: {  	s8 =	sadd.s32 $0xFFFFE003, lr  }
0x1b: {  	s9 =	sadd.s32 $0xFFFFFEF7, lr;
	s5 =	simm.s32 $0xFFFFFFFF;
	p2 =	slt.u32 s8, $0xFFFFF086  }
0x1c: {  	p1 =	slt.u32 s9, $0xF7A;
	s5 =	simm.s32 @!p2 $0x0  }
0x1d: {  	s5 =	simm.s32 @p1 $0x1;
	p0 =	seq.s32 s7, s2  }
0x1e: {  	s7 =	smul.u32 @!p0 $0xF7A, s2;
	p2 =	seq.s32 @!p0 s5, $0x0  }
0x1f: {  	s9 =	smul.u32 $0xF7A, s1;
	s8 =	simm.s32 @!p0 $0x1BF5;
	p2 =	por !p2, p0  }
0x20: {  	[sflag:s8] =	ssyncset.s32 @!p0 $0xFFFFF086;
	s6 =	sadd.s32 @!p0 s3, s7;
	s7 =	simm.s32 @!p0 $0x108  }
0x21: {  	s3 =	sadd.s32 s3, s9;
	s6 =	sadd.s32 @!p0 $0x88, s6;
	s7 =	simm.s32 @p2 $0x1082  }
0x22: {  	[simem:s7], [sflag:s8] =	dma.local @!p0 [hbm:s6], $0xF7A  }
0x23: {  	s9 =	sor.u32 $0xD0000000, s2;
	s6 =	simm.s32 $0x108;
	_ =	swait.ge @!p0 [sflag:s8], $0x0  }
0x24: {  	s3 =	sadd.s32 $0x88, s3;
	s6 =	simm.s32 @!p1 $0x1082;
	[sflag:s4] =	ssyncset.s32 $0xFFFFF086  }
0x25: {  	[simem:s6], [sflag:s4] =	dma.local [hbm:s3], $0xF7A  }
0x26: {  	[smem:$0x3F97] =	sst s1;
	(tag) =	ssettag s2;
	_ =	strace s9  }
0x27: {  	s1 =	sld [smem:$0x3FA7]  }
0x28: {  	s2 =	sld [smem:$0x3FA8]  }
0x29: {  	s4 =	sld [smem:$0x3FAA]  }
0x2a: {  	p0 =	seq.s32 s5, $0x0;
	s5 =	sld [smem:$0x3FAB]  }
0x2b: {  	s6 =	sld [smem:$0x3FAC]  }
0x2c: {  	s7 =	sld [smem:$0x3FAD]  }
0x2d: {  	s3 =	simm.s32 $0x108;
	s8 =	sld [smem:$0x3FAE]  }
0x2e: {  	s3 =	simm.s32 @!p0 $0x1082;
	s9 =	sld [smem:$0x3FAF]  }
0x2f: {  	lr =	sadd.s32 s0, s3;
	s0 =	sld [smem:$0x3FA6]  }
0x30: {  	s3 =	sld [smem:$0x3FA9]  }
0x31: {  	[smem:$0x3FB2] =	sst s10  }
0x32: {  	s10 =	sld [smem:$0x3FB0];
	_ =	sdelay $0x3  }
0x33: {  	p0 =	seq.s32 s10, $0x1;
	s10 =	sld [smem:$0x3FB2];
	_ =	sdelay $0x3  }
0x34: {  	[smem:$0x3FB2] =	sst s10  }
0x35: {  	s10 =	sld [smem:$0x3FB1];
	_ =	sdelay $0x3  }
0x36: {  	p1 =	seq.s32 s10, $0x1;
	s10 =	sld [smem:$0x3FB2];
	_ =	sdelay $0x3  }
0x37: {  	[smem:$0x3FB2] =	sst s10  }
0x38: {  	s10 =	sld [smem:$0x3FB3]  }
0x39: {  	_ = 	snop;
	(pc) =	sbr.ind lr, $3  }
0x3a: {  	_ = 	snop  }
0x3b: {  	_ = 	snop  }
0x3c: {  	p2 =	seq.s32 s10, $0x1;
	s10 =	sld [smem:$0x3FB2]  }
0x3d: {  	_ =	shalt  }
0x3e: {  	_ =	shalt  }
0x3f: {  	_ =	shalt  }
0x40: {  	_ =	shalt  }
0x41: {  	_ =	shalt  }
0x42: {  	_ =	shalt  }
0x43: {  	_ =	shalt  }
0x44: {  	_ =	shalt  }
0x45: {  	_ =	shalt  }
0x46: {  	_ =	shalt  }
0x47: {  	_ =	shalt  }
0x48: {  	_ =	shalt  }
0x49: {  	_ =	shalt  }
0x4a: {  	_ =	shalt  }
0x4b: {  	_ =	shalt  }
0x4c: {  	_ =	shalt  }
0x4d: {  	_ =	shalt  }
0x4e: {  	_ =	shalt  }
0x4f: {  	_ =	shalt  }
0x50: {  	_ =	shalt  }
0x51: {  	_ =	shalt  }
0x52: {  	_ =	shalt  }
0x53: {  	_ =	shalt  }
0x54: {  	_ =	shalt  }
0x55: {  	_ =	shalt  }
0x56: {  	_ =	shalt  }
0x57: {  	_ =	shalt  }
0x58: {  	_ =	shalt  }
0x59: {  	_ =	shalt  }
0x5a: {  	_ =	shalt  }
0x5b: {  	_ =	shalt  }
0x5c: {  	_ =	shalt  }
0x5d: {  	_ =	shalt  }
0x5e: {  	_ =	shalt  }
0x5f: {  	_ =	shalt  }
0x60: {  	_ =	shalt  }
0x61: {  	_ =	shalt  }
0x62: {  	_ =	shalt  }
0x63: {  	_ =	shalt  }
0x64: {  	_ =	shalt  }
0x65: {  	_ =	shalt  }
0x66: {  	_ =	shalt  }
0x67: {  	_ =	shalt  }
0x68: {  	_ =	shalt  }
0x69: {  	_ =	shalt  }
0x6a: {  	_ =	shalt  }
0x6b: {  	_ =	shalt  }
0x6c: {  	_ =	shalt  }
0x6d: {  	_ =	shalt  }
0x6e: {  	_ =	shalt  }
0x6f: {  	_ =	shalt  }
0x70: {  	_ =	shalt  }
0x71: {  	_ =	shalt  }
0x72: {  	_ =	shalt  }
0x73: {  	_ =	shalt  }
0x74: {  	_ =	shalt  }
0x75: {  	_ =	shalt  }
0x76: {  	_ =	shalt  }
0x77: {  	_ =	shalt  }
0x78: {  	_ =	shalt  }
0x79: {  	_ =	shalt  }
0x7a: {  	_ =	shalt  }
0x7b: {  	_ =	shalt  }
0x7c: {  	_ =	shalt  }
0x7d: {  	_ =	shalt  }
0x7e: {  	_ =	shalt  }
0x7f: {  	_ =	shalt  }
0x80: {  	_ =	shalt  }
0x81: {  	_ =	shalt  }
0x82: {  	_ =	shalt  }
0x83: {  	_ =	shalt  }
0x84: {  	_ =	shalt  }
0x85: {  	_ =	shalt  }
0x86: {  	_ =	shalt  }
0x87: {  	_ =	shalt  }
.Lfunc_end0:
.L_simem_size_0:
called_computation_lowered:
.L_overlay_start_0:
0x88: {  	s2 =	sld [smem:$0x3FD9]  }
0x89: {  	s3 =	sld [smem:$0x3FFE];
	_ =	sdelay $0x1  }
0x8a: {  	s1 =	srdreg.scid  }
0x8b: {  	s0 =	sand.u32 $0x1, s1  }
0x8c: {  	s17 =	sshll.u32 s0, $0xA;
	s2 =	sadd.s32 s3, s2  }
0x8d: {  	s2 =	sadd.s32 s2, s17  }
0x8e: {  	[smem:$0x3FBE] =	sst s2  }
0x8f: {  	_ = 	snop  }
0x90: {  	(tm) =	ssettm $0x1  }
0x91: {  	s18 =	sld [smem:$0x3FFB];
	_ =	sdelay $0x3  }
0x92: {  	_ =	strace s18  }
0x93: {  	s2 =	sld [smem:$0x3FFC];
	_ =	sdelay $0x3  }
0x94: {  	_ =	strace s2  }
0x95: {  	s2 =	sld [smem:$0x3FFD];
	_ =	sdelay $0x3  }
0x96: {  	_ =	strace s2  }
0x97: {  	_ =	strace $0x8FFFFFFF  }
0x98: {  	s19 =	sld [smem:$0x3FDB];
	_ =	sdelay $0x1  }
0x99: {  	s20 =	simm.s32 $_scs_section_size  }
0x9a: {  	s4 =	simm.s32 $_size__tile_overlayer_lowered;
	s5 =	simm.s32 $_tile_overlayer_lowered  }
0x9b: {  	s6 =	simm.s32 $0x1BFF;
	s21 =	sshll.u32 s5, $0x1;
	s3 =	sadd.s32 s20, s19  }
0x9c: {  	s22 =	simm.s32 $0x0;
	s4 =	sshll.u32 s4, $0x1;
	s5 =	sadd.s32 s21, s3  }
0x9d: {  	[timem:s22], [sflag:s6] =	dma.local [hbm:s5], s4  }
0x9e: {  	_ =	swait.ge [sflag:s6], s4  }
0x9f: {  	s4 =	ssub.s32 $0x0, s4;
	[sflag:s6] =	ssyncset.done $0x0  }
0xa0: {  	[sflag:s6] =	ssyncadd.s32 s4;
	_ =	sdelay $0x1  }
0xa1: {  	s23 =	simm.s32 $0x1B8B  }
0xa2: {  	_ =	swait.ge [sflag:s23], $0x1  }
0xa3: {  	[sflag:s23] =	ssyncset.done $0x0  }
0xa4: {  	[sflag:s23] =	ssyncadd.s32 $0xFFFFFFFF  }
0xa5: {  	s4 =	sld [smem:$0x0]  }
0xa6: {  	s5 =	sand.u32 $0xFFFFFFFE, s1  }
0xa7: {  	p0 =	sne.s32 s1, s5  }
0xa8: {  	s5 =	sshll.u32 @p0 s5, $0xE  }
0xa9: {  	s5 =	sadd.s32 @p0 $0x11B8D, s5;
	s6 =	sshll.u32 @p0 s4, $0x11  }
0xaa: {  	s5 =	sor.u32 @p0 s6, s5  }
0xab: {  	[sflag:s5] =	ssyncadd.remote.s32 @p0 $0x1;
	_ =	sdelay $0x1  }
0xac: {  	s5 =	simm.s32 @p0 $0x1B8D  }
0xad: {  	_ =	swait.eq @p0 [sflag:s5], $0x1  }
0xae: {  	[sflag:s5] =	ssyncadd.s32 @p0 $0xFFFFFFFF  }
0xaf: {  	s6 =	sshll.u32 @!p0 s1, $0xE  }
0xb0: {  	s6 =	sor.u32 @!p0 $0x4000, s6;
	s5 =	simm.s32 @!p0 $0x1B8D  }
0xb1: {  	s4 =	sshll.u32 @!p0 s4, $0x11;
	s6 =	sadd.s32 @!p0 $0x11B8D, s6;
	_ =	swait.eq @!p0 [sflag:s5], $0x1  }
0xb2: {  	s4 =	sor.u32 @!p0 s4, s6;
	[sflag:s5] =	ssyncadd.s32 @!p0 $0xFFFFFFFF  }
0xb3: {  	s25 =	simm.s32 $0x1B8E;
	s24 =	sld [smem:$0x3FFE];
	[sflag:s4] =	ssyncadd.remote.s32 @!p0 $0x1  }
0xb4: {  	s26 =	simm.s32 $execute0_lowered;
	[smem:$0x3FD2] =	sst s25  }
0xb5: {  	s5 =	sshll.u32 s26, $0x1;
	_ =	strace $0x80000049;
	[dreg:$0x1] =	wrdreg $0xFFFFFFFF  }
0xb6: {  	s28 =	simm.s32 $_size_execute0_lowered;
	s3 =	sadd.s32 s3, s5;
	[dreg:$0x0] =	wrdreg $0x0  }
0xb7: {  	s5 =	sshll.u32 s28, $0x1;
	[dreg:$0x2] =	wrdreg s3  }
0xb8: {  	[dreg:$0x3] =	wrdreg s5  }
0xb9: {  	[dreg:$0x4] =	wrdreg $0xC0  }
0xba: {  	_ =	task [dreg:s22], $0x5FFFF  }
0xbb: {  	[dreg:$0x1] =	wrdreg $0xFFFFFFFF  }
0xbc: {  	[dreg:$0x0] =	wrdreg $0x60  }
0xbd: {  	[dreg:$0x2] =	wrdreg s24  }
0xbe: {  	[dreg:$0x3] =	wrdreg $0x9  }
0xbf: {  	_ =	task.clear_ibuf [dreg:s22], $0x4FFFF;
	_ =	strace $0x90000049  }
0xc0: {  	s29 =	simm.s32 $0x9;
	_ =	strace $0x8000004B  }
0xc1: {  	_ =	swait.ge [sflag:s29], $0x1  }
0xc2: {  	[sflag:s29] =	ssyncadd.s32 $0xFFFFFFFF  }
0xc3: {  	_ =	strace $0x9000004B  }
0xc4: {  	_ =	sfence  }
0xc5: {  	s30 =	sld [smem:$0x0];
	_ =	sdelay $0x2  }
0xc6: {  	s31 =	sshll.u32 s1, $0xD;
	s1 =	sshrl.u32 s1, $0x2  }
0xc7: {  	s4 =	sand.u32 $0x4000, s31;
	s1 =	sadd.s32 s1, s30  }
0xc8: {  	s0 =	sor.u32 s4, s0;
	s1 =	sshll.u32 s1, $0x11  }
0xc9: {  	s0 =	sor.u32 s1, s0  }
0xca: {  	s0 =	sadd.s32 $0x8F2B, s0  }
0xcb: {  	[sflag:s0] =	ssyncadd.remote.s32 $0x1  }
0xcc: {  	_ =	sfence.sel $0xFFFF  }
0xcd: {  	[dreg:$0x0] =	wrdreg $0xFFFFFFFF;
	(pc) =	sbr.abs _section_cstart, $3  }
0xce: {  	[dreg:$0x1] =	wrdreg $0xFFFFFFFF  }
0xcf: {  	_ =	task.clear_ibuf [dreg:s22], $0x2FFFF;
	_ =	strace $0x9FFFFFFF  }
0xd0: {  	(tm) =	ssettm $0x7FFFFFFF  }
0xd1: {  	_ =	shalt  }
tec
execute0_lowered:
.L_overlay_start_1:
0x0: {  	(tag) =	ssettag $0x1  }
0x1: {  	s0 =	rddreg [dreg:$0x0];
	s2 =	simm.s32 $0x0;
	s1 =	stileid.u32  }
0x2: {  	s3 =	srdreg.scid;
	s13 =	simm.s32 $0x500;
	s14 =	simm.s32 $0xA00  }
0x3: {  	s15 =	simm.s32 $0x18F00;
	s16 =	simm.s32 $0x19400;
	s17 =	simm.s32 $0x80  }
0x4: {  	s18 =	simm.s32 $0xF00;
	s19 =	simm.s32 $0x4F00;
	s20 =	simm.s32 $0x8F00  }
0x5: {  	s21 =	simm.s32 $0xCF00;
	s23 =	simm.s32 $0x10F00;
	s24 =	simm.s32 $0xA80  }
0x6: {  	s25 =	simm.s32 $0x14F00;
	s28 =	simm.s32 $0x2;
	s29 =	simm.s32 $0x3  }
0x7: {  	s30 =	simm.s32 $0x0;
	[smem:$0x7FF] =	sst s2;
	s5 =	sand.u32 $0x1, s3  }
0x8: {  	s26 =	sshll.u32 s1, $0x1;
	s6 =	smul.u32 $0xA000, s1;
	s7 =	sadd.s32 $0x1F1C00, s0  }
0x9: {  	s4 =	sadd.s32 $0x62D800, s0;
	_ =	strace $0x8000004A;
	s3 =	sor.u32 s5, s26  }
0xa: {  	s31 =	ssub.s32 $0x2, s5;
	s12 =	smul.u32 $0x5000, s5;
	s26 =	simm.s32 $0x1  }
0xb: {  	s8 =	smul.u32 $0x500, s3;
	s3 =	sadd.s32 $0x633A00, s0;
	s9 =	sadd.s32 s6, s0  }
.Ltmp0:
0xc: {  	s0 =	sadd.s32 $0x5800, s0;
	s10 =	sshrl.u32 s31, $0x1;
	(pc) =	sbr.rel .LBB2_1-.Ltmp0, $4  }
0xd: {  	s10 =	ssub.s32 s31, s10;
	s12 =	sadd.s32 s12, s9;
	s8 =	sshrl.u32 s8, $0x3  }
0xe: {  	s10 =	smax.u32 s10, $0x1;
	s11 =	sadd.s32 $0x1400, s8;
	s5 =	sadd.s32 s7, s8  }
0xf: {  	s8 =	sadd.s32 s0, s8;
	s6 =	sadd.s32 s7, s11;
	s7 =	sadd.s32 $0x2800, s5  }
0x10: {  	s9 =	sadd.s32 s0, s11;
	s11 =	sadd.s32 $0x336000, s12;
	s12 =	simm.s32 $0x4  }
.LBB2_4:
0x11: {  	_ =	swait.ge [sflag:s28], $0x4000  }
0x12: {  	[sflag:s28] =	ssyncset.done $0x0  }
0x13: {  	[sflag:s28] =	ssyncadd.s32 $0xFFFFC000  }
0x14: {  	_ =	swait.ge [sflag:s28], $0x4000  }
0x15: {  	[sflag:s28] =	ssyncset.done $0x0  }
0x16: {  	[sflag:s28] =	ssyncadd.s32 $0xFFFFC000  }
0x17: {  	_ =	swait.ge [sflag:s28], $0x4000  }
0x18: {  	[sflag:s28] =	ssyncset.done $0x0  }
0x19: {  	[sflag:s28] =	ssyncadd.s32 $0xFFFFC000  }
0x1a: {  	_ =	swait.ge [sflag:s29], $0x500  }
0x1b: {  	[sflag:s29] =	ssyncset.done $0x0  }
0x1c: {  	[sflag:s29] =	ssyncadd.s32 $0xFFFFFB00  }
0x1d: {  	_ =	swait.ge [sflag:s29], $0x500  }
0x1e: {  	[sflag:s29] =	ssyncset.done $0x0  }
0x1f: {  	[sflag:s29] =	ssyncadd.s32 $0xFFFFFB00  }
0x20: {  	[hbm4b:s8+s2] =	stream.linear.scatter [tilespmem:s15], [sflag:$0x4], $0x500, $0x38;
	[tilespmem:$0x19900] =	vst v63  }
0x21: {  	s30 =	sadd.s32 $0x1, s30;
	_ =	swait.ge [sflag:s12], $0x500  }
0x22: {  	p0 =	sne.s32 s30, s10;
	[sflag:s12] =	ssyncset.done $0x0  }
.Ltmp1:
0x23: {  	[sflag:s12] =	ssyncadd.s32 $0xFFFFFB00;
	(pc) =	sbr.rel @!p0 .LBB2_5-.Ltmp1, $4  }
0x24: {  	[hbm4b:s9+s2] =	stream.linear.scatter [tilespmem:s16], [sflag:$0x4], $0x500, $0x38;
	[tilespmem:$0x19900] =	vst v63  }
0x25: {  	_ =	swait.ge [sflag:s12], $0x500  }
0x26: {  	[sflag:s12] =	ssyncset.done $0x0  }
0x27: {  	[sflag:s12] =	ssyncadd.s32 $0xFFFFFB00  }
.LBB2_1:
0x28: {  	[tilespmem:s2], [sflag:$0x4] =	stream.linear.gather [hbm4b:s5+s2], $0x500, $0x38;
	[tilespmem:$0x19900] =	vst v63  }
0x29: {  	_ =	swait.ge [sflag:s12], $0x500  }
0x2a: {  	[sflag:s12] =	ssyncset.done $0x0  }
0x2b: {  	[sflag:s12] =	ssyncadd.s32 $0xFFFFFB00  }
0x2c: {  	[tilespmem:s13], [sflag:$0x4] =	stream.linear.gather [hbm4b:s6+s2], $0x500, $0x38;
	[tilespmem:$0x19900] =	vst v63  }
0x2d: {  	_ =	swait.ge [sflag:s12], $0x500  }
0x2e: {  	[sflag:s12] =	ssyncset.done $0x0  }
0x2f: {  	[sflag:s12] =	ssyncadd.s32 $0xFFFFFB00  }
0x30: {  	[tilespmem:s14], [sflag:$0x4] =	stream.linear.gather [hbm4b:s7+s2], $0x500, $0x38;
	[tilespmem:$0x19900] =	vst v63  }
0x31: {  	_ =	swait.ge [sflag:s12], $0x500  }
0x32: {  	[sflag:s12] =	ssyncset.done $0x0  }
0x33: {  	[sflag:s12] =	ssyncadd.s32 $0xFFFFFB00  }
0x34: {  	[tilespmem:s15], [sflag:$0x3] =	stream.indirect.gather [hbm4b:s4+s13], $0x1, s13, s13, $0xb8;
	[tilespmem:$0x19900] =	vst v63  }
0x35: {  	_ = 	snop  }
0x36: {  	[tilespmem:s16], [sflag:$0x3] =	stream.indirect.gather [hbm4b:s4+s13], $0x1, s14, s13, $0xb8;
	[tilespmem:$0x19900] =	vst v63  }
0x37: {  	_ = 	snop  }
0x38: {  	[tilespmem:s18], [sflag:$0x1] =	stream.indirect.gather [hbm4b:s3+s17], $0x80, s2, s17, $0xb8;
	[tilespmem:$0x19900] =	vst v63  }
0x39: {  	_ = 	snop  }
0x3a: {  	[tilespmem:s19], [sflag:$0x1] =	stream.indirect.gather [hbm4b:s3+s17], $0x80, s13, s17, $0xb8;
	[tilespmem:$0x19900] =	vst v63  }
0x3b: {  	_ = 	snop  }
0x3c: {  	[tilespmem:s20], [sflag:$0x1] =	stream.indirect.gather [hbm4b:s3+s17], $0x80, s14, s17, $0xb8;
	[tilespmem:$0x19900] =	vst v63  }
0x3d: {  	_ = 	snop  }
0x3e: {  	[tilespmem:s21], [sflag:$0x1] =	stream.indirect.gather [hbm4b:s3+s17], $0x80, s17, s17, $0xb8;
	[tilespmem:$0x19900] =	vst v63  }
0x3f: {  	s0 =	simm.s32 $0x580  }
0x40: {  	[tilespmem:s23], [sflag:$0x1] =	stream.indirect.gather [hbm4b:s3+s17], $0x80, s0, s17, $0xb8;
	[tilespmem:$0x19900] =	vst v63  }
0x41: {  	s31 =	smov.u32 s11;
	s0 =	simm.s32 $0x0  }
0x42: {  	[tilespmem:s25], [sflag:$0x1] =	stream.indirect.gather [hbm4b:s3+s17], $0x80, s24, s17, $0xb8;
	[tilespmem:$0x19900] =	vst v63  }
.LBB2_2:
0x43: {  	_ =	swait.ge [sflag:s26], $0x4000  }
0x44: {  	[sflag:s26] =	ssyncset.done $0x0  }
0x45: {  	[sflag:s26] =	ssyncadd.s32 $0xFFFFC000  }
0x46: {  	_ =	swait.ge [sflag:s26], $0x4000  }
0x47: {  	[sflag:s26] =	ssyncset.done $0x0  }
0x48: {  	[sflag:s26] =	ssyncadd.s32 $0xFFFFC000  }
0x49: {  	_ =	swait.ge [sflag:s26], $0x4000  }
0x4a: {  	[sflag:s26] =	ssyncset.done $0x0  }
0x4b: {  	s1 =	sadd.s32 $0xFFEBF800, s31;
	[sflag:s26] =	ssyncadd.s32 $0xFFFFC000  }
0x4c: {  	[hbm4b:s1+s2] =	stream.linear.scatter [tilespmem:s18], [sflag:$0x2], $0x4000, $0x38;
	[tilespmem:$0x19900] =	vst v63  }
0x4d: {  	s22 =	sadd.s32 $0xFFF5F800, s31  }
0x4e: {  	[hbm4b:s22+s2] =	stream.linear.scatter [tilespmem:s19], [sflag:$0x2], $0x4000, $0x38;
	[tilespmem:$0x19900] =	vst v63  }
0x4f: {  	s22 =	sadd.s32 $0xFFFFF800, s31  }
0x50: {  	[hbm4b:s22+s2] =	stream.linear.scatter [tilespmem:s20], [sflag:$0x2], $0x4000, $0x38;
	[tilespmem:$0x19900] =	vst v63  }
0x51: {  	_ =	swait.ge [sflag:s26], $0x4000  }
0x52: {  	[sflag:s26] =	ssyncset.done $0x0  }
0x53: {  	[sflag:s26] =	ssyncadd.s32 $0xFFFFC000  }
0x54: {  	_ =	swait.ge [sflag:s26], $0x4000  }
0x55: {  	[sflag:s26] =	ssyncset.done $0x0  }
0x56: {  	[sflag:s26] =	ssyncadd.s32 $0xFFFFC000  }
0x57: {  	_ =	swait.ge [sflag:s26], $0x4000  }
0x58: {  	[sflag:s26] =	ssyncset.done $0x0  }
0x59: {  	s22 =	sadd.s32 $0xFFEC0000, s31;
	[sflag:s26] =	ssyncadd.s32 $0xFFFFC000  }
0x5a: {  	[hbm4b:s22+s2] =	stream.linear.scatter [tilespmem:s21], [sflag:$0x2], $0x4000, $0x38;
	[tilespmem:$0x19900] =	vst v63  }
0x5b: {  	s22 =	sadd.s32 $0xFFF60000, s31  }
0x5c: {  	[hbm4b:s22+s2] =	stream.linear.scatter [tilespmem:s23], [sflag:$0x2], $0x4000, $0x38;
	[tilespmem:$0x19900] =	vst v63  }
0x5d: {  	_ = 	snop  }
0x5e: {  	[hbm4b:s31+s2] =	stream.linear.scatter [tilespmem:s25], [sflag:$0x2], $0x4000, $0x38;
	[tilespmem:$0x19900] =	vst v63  }
0x5f: {  	_ =	swait.ge [sflag:s28], $0x4000  }
0x60: {  	[sflag:s28] =	ssyncset.done $0x0  }
0x61: {  	[sflag:s28] =	ssyncadd.s32 $0xFFFFC000  }
0x62: {  	p0 =	seq.s32 s0, $0x1000;
	_ =	swait.ge [sflag:s28], $0x4000  }
.Ltmp2:
0x63: {  	[sflag:s28] =	ssyncset.done $0x0;
	(pc) =	sbr.rel @p0 .LBB2_4-.Ltmp2, $4  }
0x64: {  	[sflag:s28] =	ssyncadd.s32 $0xFFFFC000  }
0x65: {  	_ =	swait.ge [sflag:s28], $0x4000  }
0x66: {  	[sflag:s28] =	ssyncset.done $0x0  }
0x67: {  	[sflag:s28] =	ssyncadd.s32 $0xFFFFC000  }
0x68: {  	s1 =	sshra.s32 s0, $0x2  }
0x69: {  	s22 =	sadd.s32 $0x100, s1  }
0x6a: {  	[tilespmem:s18], [sflag:$0x1] =	stream.indirect.gather [hbm4b:s3+s17], $0x80, s22, s17, $0xb8;
	[tilespmem:$0x19900] =	vst v63  }
0x6b: {  	s22 =	sadd.s32 $0x600, s1  }
0x6c: {  	[tilespmem:s19], [sflag:$0x1] =	stream.indirect.gather [hbm4b:s3+s17], $0x80, s22, s17, $0xb8;
	[tilespmem:$0x19900] =	vst v63  }
0x6d: {  	s22 =	sadd.s32 $0xB00, s1  }
0x6e: {  	[tilespmem:s20], [sflag:$0x1] =	stream.indirect.gather [hbm4b:s3+s17], $0x80, s22, s17, $0xb8;
	[tilespmem:$0x19900] =	vst v63  }
0x6f: {  	_ =	swait.ge [sflag:s28], $0x4000  }
0x70: {  	[sflag:s28] =	ssyncset.done $0x0  }
0x71: {  	[sflag:s28] =	ssyncadd.s32 $0xFFFFC000  }
0x72: {  	_ =	swait.ge [sflag:s28], $0x4000  }
0x73: {  	[sflag:s28] =	ssyncset.done $0x0  }
0x74: {  	[sflag:s28] =	ssyncadd.s32 $0xFFFFC000  }
0x75: {  	_ =	swait.ge [sflag:s28], $0x4000  }
0x76: {  	[sflag:s28] =	ssyncset.done $0x0  }
0x77: {  	s22 =	sadd.s32 $0x180, s1;
	[sflag:s28] =	ssyncadd.s32 $0xFFFFC000  }
0x78: {  	[tilespmem:s21], [sflag:$0x1] =	stream.indirect.gather [hbm4b:s3+s17], $0x80, s22, s17, $0xb8;
	[tilespmem:$0x19900] =	vst v63  }
.Ltmp3:
0x79: {  	_ = 	snop;
	(pc) =	sbr.rel .LBB2_2-.Ltmp3, $4  }
0x7a: {  	s22 =	sadd.s32 $0x680, s1  }
0x7b: {  	[tilespmem:s23], [sflag:$0x1] =	stream.indirect.gather [hbm4b:s3+s17], $0x80, s22, s17, $0xb8;
	[tilespmem:$0x19900] =	vst v63  }
0x7c: {  	s0 =	sadd.s32 $0x400, s0;
	s31 =	sadd.s32 $0x1000, s31;
	s1 =	sadd.s32 $0xB80, s1  }
0x7d: {  	[tilespmem:s25], [sflag:$0x1] =	stream.indirect.gather [hbm4b:s3+s17], $0x80, s1, s17, $0xb8;
	[tilespmem:$0x19900] =	vst v63  }
.LBB2_5:
0x7e: {  	_ =	sfence.sel $0x180000  }
0x7f: {  	[bflag:$0x0] =	sbarrier.arrive $0xFFFF  }
0x80: {  	_ =	strace $0x9000004A  }
0x81: {  	s0 =	stileid.u32;
	[bflag:$0x2] =	sbarrier.arrive $0xFFFF  }
0x82: {  	p0 =	sne.s32 s0, $0x0;
	s0 =	rddreg [dreg:$0x1]  }
0x83: {  	s0 =	sadd.s32 @!p0 $0x100000, s0  }
0x84: {  	[sflag:s0] =	ssyncadd.tile.s32 @!p0 $0x1;
	_ =	shalt  }
.Lfunc_end2:
_tile_overlayer_lowered:
.L_overlay_start_2:
0x85: {  	(tag) =	ssettag $0x2  }
0x86: {  	s0 =	rddreg [dreg:$0x0];
	s2 =	stileid.u32  }
0x87: {  	s1 =	rddreg [dreg:$0x1];
	p0 =	sne.s32 s2, $0x0  }
0x88: {  	s3 =	rddreg [dreg:$0x2];
	[bflag:$0x3] =	sbarrier.arrive $0xFFFF;
	s2 =	simm.s32 @!p0 $0x1C04  }
0x89: {  	[timem:s3], [sflag:s2] =	dma.local @!p0 [hbm:s0], s1  }
0x8a: {  	s0 =	simm.s32 @!p0 $0x4  }
0x8b: {  	_ =	swait.ge @!p0 [sflag:s0], s1  }
0x8c: {  	s1 =	ssub.s32 @!p0 $0x0, s1;
	[sflag:s0] =	ssyncset.done @!p0 $0x0  }
0x8d: {  	[sflag:s0] =	ssyncadd.s32 @!p0 s1  }
0x8e: {  	[bflag:$0x3] =	sbarrier.arrive $0xFFFF  }
0x8f: {  	_ =	shalt  }

// kernel: kernel.9.cloned.1.call-start
scs
__scs_entry_jumppad:
0x0: {  	(pc) =	sbr.rel $0x88, $3  }
0x1: {  	(tag) =	ssettag $0x0;
	lr =	simm.s32 $0x1  }
0x2: {  	[smem:$0x3F97] =	sst lr;
	_ =	strace $0xD0000000  }
0x3: {  	_ = 	snop  }
0x4: {  	_ = 	snop  }
0x5: {  	_ = 	snop  }
0x6: {  	_ = 	snop  }
0x7: {  	_ = 	snop  }
__scs_overlays_trampoline_lowered:
0x8: {  	[smem:$0x3FA6] =	sst s0  }
0x9: {  	[smem:$0x3FA7] =	sst s1  }
0xa: {  	[smem:$0x3FA8] =	sst s2  }
0xb: {  	[smem:$0x3FA9] =	sst s3  }
0xc: {  	[smem:$0x3FAA] =	sst s4  }
0xd: {  	[smem:$0x3FAB] =	sst s5  }
0xe: {  	[smem:$0x3FAC] =	sst s6  }
0xf: {  	[smem:$0x3FAD] =	sst s7  }
0x10: {  	[smem:$0x3FAE] =	sst s8  }
0x11: {  	[smem:$0x3FAF] =	sst s9;
	s0 =	simm.s32 @!p0 $0x0  }
0x12: {  	s1 =	sld [smem:$0x3F95];
	s0 =	simm.s32 @p0 $0x1  }
0x13: {  	[smem:$0x3FB0] =	sst s0;
	s0 =	simm.s32 @!p1 $0x0  }
0x14: {  	s2 =	sld [smem:$0x3F94];
	s0 =	simm.s32 @p1 $0x1  }
0x15: {  	[smem:$0x3FB1] =	sst s0;
	s0 =	simm.s32 @!p2 $0x0  }
0x16: {  	s3 =	sld [smem:$0x3FDB];
	s0 =	simm.s32 @p2 $0x1  }
0x17: {  	s4 =	simm.s32 $0x1BF5;
	[smem:$0x3FB3] =	sst s0  }
0x18: {  	s0 =	sld [smem:$0x3F96];
	_ =	swait.ge [sflag:s4], $0x0  }
0x19: {  	s7 =	sld [smem:$0x3F97]  }
0x1a: {  	s8 =	sadd.s32 $0xFFFFE003, lr  }
0x1b: {  	s9 =	sadd.s32 $0xFFFFFEF7, lr;
	s5 =	simm.s32 $0xFFFFFFFF;
	p2 =	slt.u32 s8, $0xFFFFF086  }
0x1c: {  	p1 =	slt.u32 s9, $0xF7A;
	s5 =	simm.s32 @!p2 $0x0  }
0x1d: {  	s5 =	simm.s32 @p1 $0x1;
	p0 =	seq.s32 s7, s2  }
0x1e: {  	s7 =	smul.u32 @!p0 $0xF7A, s2;
	p2 =	seq.s32 @!p0 s5, $0x0  }
0x1f: {  	s9 =	smul.u32 $0xF7A, s1;
	s8 =	simm.s32 @!p0 $0x1BF5;
	p2 =	por !p2, p0  }
0x20: {  	[sflag:s8] =	ssyncset.s32 @!p0 $0xFFFFF086;
	s6 =	sadd.s32 @!p0 s3, s7;
	s7 =	simm.s32 @!p0 $0x108  }
0x21: {  	s3 =	sadd.s32 s3, s9;
	s6 =	sadd.s32 @!p0 $0x88, s6;
	s7 =	simm.s32 @p2 $0x1082  }
0x22: {  	[simem:s7], [sflag:s8] =	dma.local @!p0 [hbm:s6], $0xF7A  }
0x23: {  	s9 =	sor.u32 $0xD0000000, s2;
	s6 =	simm.s32 $0x108;
	_ =	swait.ge @!p0 [sflag:s8], $0x0  }
0x24: {  	s3 =	sadd.s32 $0x88, s3;
	s6 =	simm.s32 @!p1 $0x1082;
	[sflag:s4] =	ssyncset.s32 $0xFFFFF086  }
0x25: {  	[simem:s6], [sflag:s4] =	dma.local [hbm:s3], $0xF7A  }
0x26: {  	[smem:$0x3F97] =	sst s1;
	(tag) =	ssettag s2;
	_ =	strace s9  }
0x27: {  	s1 =	sld [smem:$0x3FA7]  }
0x28: {  	s2 =	sld [smem:$0x3FA8]  }
0x29: {  	s4 =	sld [smem:$0x3FAA]  }
0x2a: {  	p0 =	seq.s32 s5, $0x0;
	s5 =	sld [smem:$0x3FAB]  }
0x2b: {  	s6 =	sld [smem:$0x3FAC]  }
0x2c: {  	s7 =	sld [smem:$0x3FAD]  }
0x2d: {  	s3 =	simm.s32 $0x108;
	s8 =	sld [smem:$0x3FAE]  }
0x2e: {  	s3 =	simm.s32 @!p0 $0x1082;
	s9 =	sld [smem:$0x3FAF]  }
0x2f: {  	lr =	sadd.s32 s0, s3;
	s0 =	sld [smem:$0x3FA6]  }
0x30: {  	s3 =	sld [smem:$0x3FA9]  }
0x31: {  	[smem:$0x3FB2] =	sst s10  }
0x32: {  	s10 =	sld [smem:$0x3FB0];
	_ =	sdelay $0x3  }
0x33: {  	p0 =	seq.s32 s10, $0x1;
	s10 =	sld [smem:$0x3FB2];
	_ =	sdelay $0x3  }
0x34: {  	[smem:$0x3FB2] =	sst s10  }
0x35: {  	s10 =	sld [smem:$0x3FB1];
	_ =	sdelay $0x3  }
0x36: {  	p1 =	seq.s32 s10, $0x1;
	s10 =	sld [smem:$0x3FB2];
	_ =	sdelay $0x3  }
0x37: {  	[smem:$0x3FB2] =	sst s10  }
0x38: {  	s10 =	sld [smem:$0x3FB3]  }
0x39: {  	_ = 	snop;
	(pc) =	sbr.ind lr, $3  }
0x3a: {  	_ = 	snop  }
0x3b: {  	_ = 	snop  }
0x3c: {  	p2 =	seq.s32 s10, $0x1;
	s10 =	sld [smem:$0x3FB2]  }
0x3d: {  	_ =	shalt  }
0x3e: {  	_ =	shalt  }
0x3f: {  	_ =	shalt  }
0x40: {  	_ =	shalt  }
0x41: {  	_ =	shalt  }
0x42: {  	_ =	shalt  }
0x43: {  	_ =	shalt  }
0x44: {  	_ =	shalt  }
0x45: {  	_ =	shalt  }
0x46: {  	_ =	shalt  }
0x47: {  	_ =	shalt  }
0x48: {  	_ =	shalt  }
0x49: {  	_ =	shalt  }
0x4a: {  	_ =	shalt  }
0x4b: {  	_ =	shalt  }
0x4c: {  	_ =	shalt  }
0x4d: {  	_ =	shalt  }
0x4e: {  	_ =	shalt  }
0x4f: {  	_ =	shalt  }
0x50: {  	_ =	shalt  }
0x51: {  	_ =	shalt  }
0x52: {  	_ =	shalt  }
0x53: {  	_ =	shalt  }
0x54: {  	_ =	shalt  }
0x55: {  	_ =	shalt  }
0x56: {  	_ =	shalt  }
0x57: {  	_ =	shalt  }
0x58: {  	_ =	shalt  }
0x59: {  	_ =	shalt  }
0x5a: {  	_ =	shalt  }
0x5b: {  	_ =	shalt  }
0x5c: {  	_ =	shalt  }
0x5d: {  	_ =	shalt  }
0x5e: {  	_ =	shalt  }
0x5f: {  	_ =	shalt  }
0x60: {  	_ =	shalt  }
0x61: {  	_ =	shalt  }
0x62: {  	_ =	shalt  }
0x63: {  	_ =	shalt  }
0x64: {  	_ =	shalt  }
0x65: {  	_ =	shalt  }
0x66: {  	_ =	shalt  }
0x67: {  	_ =	shalt  }
0x68: {  	_ =	shalt  }
0x69: {  	_ =	shalt  }
0x6a: {  	_ =	shalt  }
0x6b: {  	_ =	shalt  }
0x6c: {  	_ =	shalt  }
0x6d: {  	_ =	shalt  }
0x6e: {  	_ =	shalt  }
0x6f: {  	_ =	shalt  }
0x70: {  	_ =	shalt  }
0x71: {  	_ =	shalt  }
0x72: {  	_ =	shalt  }
0x73: {  	_ =	shalt  }
0x74: {  	_ =	shalt  }
0x75: {  	_ =	shalt  }
0x76: {  	_ =	shalt  }
0x77: {  	_ =	shalt  }
0x78: {  	_ =	shalt  }
0x79: {  	_ =	shalt  }
0x7a: {  	_ =	shalt  }
0x7b: {  	_ =	shalt  }
0x7c: {  	_ =	shalt  }
0x7d: {  	_ =	shalt  }
0x7e: {  	_ =	shalt  }
0x7f: {  	_ =	shalt  }
0x80: {  	_ =	shalt  }
0x81: {  	_ =	shalt  }
0x82: {  	_ =	shalt  }
0x83: {  	_ =	shalt  }
0x84: {  	_ =	shalt  }
0x85: {  	_ =	shalt  }
0x86: {  	_ =	shalt  }
0x87: {  	_ =	shalt  }
.Lfunc_end0:
.L_simem_size_0:
called_computation.1_lowered:
.L_overlay_start_0:
0x88: {  	s2 =	sld [smem:$0x3FD9]  }
0x89: {  	s3 =	sld [smem:$0x3FFE];
	_ =	sdelay $0x1  }
0x8a: {  	s1 =	srdreg.scid  }
0x8b: {  	s0 =	sand.u32 $0x1, s1  }
0x8c: {  	s16 =	sshll.u32 s0, $0xA;
	s2 =	sadd.s32 s3, s2  }
0x8d: {  	s2 =	sadd.s32 s2, s16  }
0x8e: {  	[smem:$0x3FBE] =	sst s2  }
0x8f: {  	_ = 	snop  }
0x90: {  	(tm) =	ssettm $0x1  }
0x91: {  	s17 =	sld [smem:$0x3FFB];
	_ =	sdelay $0x3  }
0x92: {  	_ =	strace s17  }
0x93: {  	s2 =	sld [smem:$0x3FFC];
	_ =	sdelay $0x3  }
0x94: {  	_ =	strace s2  }
0x95: {  	s2 =	sld [smem:$0x3FFD];
	_ =	sdelay $0x3  }
0x96: {  	_ =	strace s2  }
0x97: {  	_ =	strace $0x8FFFFFFF  }
0x98: {  	s18 =	sld [smem:$0x3FDB];
	_ =	sdelay $0x1  }
0x99: {  	s19 =	simm.s32 $_scs_section_size  }
0x9a: {  	s4 =	simm.s32 $_size__tile_overlayer_lowered;
	s5 =	simm.s32 $_tile_overlayer_lowered  }
0x9b: {  	s22 =	simm.s32 $0x1BFF;
	s21 =	sshll.u32 s5, $0x1;
	s2 =	sadd.s32 s19, s18  }
0x9c: {  	s6 =	simm.s32 $0x0;
	s20 =	sshll.u32 s4, $0x1;
	s4 =	sadd.s32 s21, s2  }
0x9d: {  	[timem:s6], [sflag:s22] =	dma.local [hbm:s4], s20  }
0x9e: {  	_ =	swait.ge [sflag:s22], s20  }
0x9f: {  	s3 =	ssub.s32 $0x0, s20;
	[sflag:s22] =	ssyncset.done $0x0  }
0xa0: {  	[sflag:s22] =	ssyncadd.s32 s3;
	_ =	sdelay $0x1  }
0xa1: {  	s23 =	simm.s32 $0x1B8B  }
0xa2: {  	_ =	swait.ge [sflag:s23], $0x1  }
0xa3: {  	[sflag:s23] =	ssyncset.done $0x0  }
0xa4: {  	s25 =	simm.s32 $0x1B8E;
	s24 =	sld [smem:$0x3FFE];
	[sflag:s23] =	ssyncadd.s32 $0xFFFFFFFF  }
0xa5: {  	s26 =	simm.s32 $execute0_lowered;
	[smem:$0x3FD2] =	sst s25  }
0xa6: {  	s4 =	sshll.u32 s26, $0x1;
	_ =	strace $0x80000046;
	[dreg:$0x1] =	wrdreg $0xFFFFFFFF  }
0xa7: {  	s28 =	simm.s32 $_size_execute0_lowered;
	s2 =	sadd.s32 s2, s4;
	[dreg:$0x0] =	wrdreg $0x0  }
0xa8: {  	s4 =	sshll.u32 s28, $0x1;
	[dreg:$0x2] =	wrdreg s2  }
0xa9: {  	[dreg:$0x3] =	wrdreg s4  }
0xaa: {  	[dreg:$0x4] =	wrdreg $0xC0  }
0xab: {  	_ =	task [dreg:s6], $0x5FFFF  }
0xac: {  	[dreg:$0x1] =	wrdreg $0xFFFFFFFF  }
0xad: {  	[dreg:$0x0] =	wrdreg $0x60  }
0xae: {  	[dreg:$0x2] =	wrdreg s24  }
0xaf: {  	[dreg:$0x3] =	wrdreg $0xA  }
0xb0: {  	_ =	task.clear_ibuf [dreg:s6], $0x4FFFF;
	_ =	strace $0x90000046  }
0xb1: {  	s29 =	simm.s32 $0xA;
	_ =	strace $0x80000048  }
0xb2: {  	_ =	swait.ge [sflag:s29], $0x1  }
0xb3: {  	[sflag:s29] =	ssyncadd.s32 $0xFFFFFFFF  }
0xb4: {  	_ =	strace $0x90000048  }
0xb5: {  	_ =	sfence  }
0xb6: {  	s30 =	sld [smem:$0x0];
	_ =	sdelay $0x2  }
0xb7: {  	s31 =	sshll.u32 s1, $0xD;
	s1 =	sshrl.u32 s1, $0x2  }
0xb8: {  	s3 =	sand.u32 $0x4000, s31;
	s1 =	sadd.s32 s1, s30  }
0xb9: {  	s0 =	sor.u32 s3, s0;
	s1 =	sshll.u32 s1, $0x11  }
0xba: {  	s0 =	sor.u32 s1, s0  }
0xbb: {  	s0 =	sadd.s32 $0x8F2B, s0  }
0xbc: {  	[sflag:s0] =	ssyncadd.remote.s32 $0x1  }
0xbd: {  	_ =	sfence.sel $0xFFFF  }
0xbe: {  	[dreg:$0x0] =	wrdreg $0xFFFFFFFF;
	(pc) =	sbr.abs _section_cstart, $3  }
0xbf: {  	[dreg:$0x1] =	wrdreg $0xFFFFFFFF  }
0xc0: {  	_ =	task.clear_ibuf [dreg:s6], $0x2FFFF;
	_ =	strace $0x9FFFFFFF  }
0xc1: {  	(tm) =	ssettm $0x7FFFFFFF  }
tec
execute0_lowered:
.L_overlay_start_1:
0x0: {  	(tag) =	ssettag $0x1  }
0x1: {  	s0 =	rddreg [dreg:$0x0]  }
0x2: {  	s1 =	stileid.u32;
	s3 =	srdreg.scid  }
0x3: {  	s2 =	simm.s32 $0x0;
	s13 =	simm.s32 $0x500;
	s14 =	simm.s32 $0xA00  }
0x4: {  	s15 =	simm.s32 $0x18F00;
	s16 =	simm.s32 $0x19400;
	s17 =	simm.s32 $0x80  }
0x5: {  	s18 =	simm.s32 $0xF00;
	s19 =	simm.s32 $0x4F00;
	s20 =	simm.s32 $0x8F00  }
0x6: {  	s21 =	simm.s32 $0xCF00;
	s23 =	simm.s32 $0x10F00;
	s24 =	simm.s32 $0xA80  }
0x7: {  	s25 =	simm.s32 $0x14F00;
	s28 =	simm.s32 $0x2;
	s29 =	simm.s32 $0x3  }
0x8: {  	s30 =	simm.s32 $0x0;
	s5 =	sand.u32 $0x1, s3;
	s26 =	sshll.u32 s1, $0x1  }
0x9: {  	[smem:$0x7FF] =	sst s2;
	s6 =	smul.u32 $0xA000, s1;
	s7 =	sadd.s32 $0xE000, s0  }
0xa: {  	s4 =	sadd.s32 $0x62D800, s0;
	s3 =	sor.u32 s5, s26;
	_ =	strace $0x80000047  }
0xb: {  	s31 =	ssub.s32 $0x2, s5;
	s12 =	smul.u32 $0x5000, s5;
	s26 =	simm.s32 $0x1  }
0xc: {  	s8 =	smul.u32 $0x500, s3;
	s3 =	sadd.s32 $0x633A00, s0;
	s9 =	sadd.s32 s6, s0  }
.Ltmp0:
0xd: {  	s0 =	sadd.s32 $0x8800, s0;
	s10 =	sshrl.u32 s31, $0x1;
	(pc) =	sbr.rel .LBB2_1-.Ltmp0, $4  }
0xe: {  	s10 =	ssub.s32 s31, s10;
	s12 =	sadd.s32 s12, s9;
	s8 =	sshrl.u32 s8, $0x3  }
0xf: {  	s10 =	smax.u32 s10, $0x1;
	s11 =	sadd.s32 $0x1400, s8;
	s5 =	sadd.s32 s7, s8  }
0x10: {  	s8 =	sadd.s32 s0, s8;
	s6 =	sadd.s32 s7, s11;
	s7 =	sadd.s32 $0x2800, s5  }
0x11: {  	s9 =	sadd.s32 s0, s11;
	s11 =	sadd.s32 $0x152400, s12;
	s12 =	simm.s32 $0x4  }
.LBB2_4:
0x12: {  	_ =	swait.ge [sflag:s28], $0x4000  }
0x13: {  	[sflag:s28] =	ssyncset.done $0x0  }
0x14: {  	[sflag:s28] =	ssyncadd.s32 $0xFFFFC000  }
0x15: {  	_ =	swait.ge [sflag:s28], $0x4000  }
0x16: {  	[sflag:s28] =	ssyncset.done $0x0  }
0x17: {  	[sflag:s28] =	ssyncadd.s32 $0xFFFFC000  }
0x18: {  	_ =	swait.ge [sflag:s28], $0x4000  }
0x19: {  	[sflag:s28] =	ssyncset.done $0x0  }
0x1a: {  	[sflag:s28] =	ssyncadd.s32 $0xFFFFC000  }
0x1b: {  	_ =	swait.ge [sflag:s29], $0x500  }
0x1c: {  	[sflag:s29] =	ssyncset.done $0x0  }
0x1d: {  	[sflag:s29] =	ssyncadd.s32 $0xFFFFFB00  }
0x1e: {  	_ =	swait.ge [sflag:s29], $0x500  }
0x1f: {  	[sflag:s29] =	ssyncset.done $0x0  }
0x20: {  	[sflag:s29] =	ssyncadd.s32 $0xFFFFFB00  }
0x21: {  	[hbm4b:s8+s2] =	stream.linear.scatter [tilespmem:s15], [sflag:$0x4], $0x500, $0x38;
	[tilespmem:$0x19900] =	vst v63  }
0x22: {  	s30 =	sadd.s32 $0x1, s30;
	_ =	swait.ge [sflag:s12], $0x500  }
0x23: {  	p0 =	sne.s32 s30, s10;
	[sflag:s12] =	ssyncset.done $0x0  }
.Ltmp1:
0x24: {  	[sflag:s12] =	ssyncadd.s32 $0xFFFFFB00;
	(pc) =	sbr.rel @!p0 .LBB2_5-.Ltmp1, $4  }
0x25: {  	[hbm4b:s9+s2] =	stream.linear.scatter [tilespmem:s16], [sflag:$0x4], $0x500, $0x38;
	[tilespmem:$0x19900] =	vst v63  }
0x26: {  	_ =	swait.ge [sflag:s12], $0x500  }
0x27: {  	[sflag:s12] =	ssyncset.done $0x0  }
0x28: {  	[sflag:s12] =	ssyncadd.s32 $0xFFFFFB00  }
.LBB2_1:
0x29: {  	[tilespmem:s2], [sflag:$0x4] =	stream.linear.gather [hbm4b:s5+s2], $0x500, $0x38;
	[tilespmem:$0x19900] =	vst v63  }
0x2a: {  	_ =	swait.ge [sflag:s12], $0x500  }
0x2b: {  	[sflag:s12] =	ssyncset.done $0x0  }
0x2c: {  	[sflag:s12] =	ssyncadd.s32 $0xFFFFFB00  }
0x2d: {  	[tilespmem:s13], [sflag:$0x4] =	stream.linear.gather [hbm4b:s6+s2], $0x500, $0x38;
	[tilespmem:$0x19900] =	vst v63  }
0x2e: {  	_ =	swait.ge [sflag:s12], $0x500  }
0x2f: {  	[sflag:s12] =	ssyncset.done $0x0  }
0x30: {  	[sflag:s12] =	ssyncadd.s32 $0xFFFFFB00  }
0x31: {  	[tilespmem:s14], [sflag:$0x4] =	stream.linear.gather [hbm4b:s7+s2], $0x500, $0x38;
	[tilespmem:$0x19900] =	vst v63  }
0x32: {  	_ =	swait.ge [sflag:s12], $0x500  }
0x33: {  	[sflag:s12] =	ssyncset.done $0x0  }
0x34: {  	[sflag:s12] =	ssyncadd.s32 $0xFFFFFB00  }
0x35: {  	[tilespmem:s15], [sflag:$0x3] =	stream.indirect.gather [hbm4b:s4+s13], $0x1, s13, s13, $0xb8;
	[tilespmem:$0x19900] =	vst v63  }
0x36: {  	_ = 	snop  }
0x37: {  	[tilespmem:s16], [sflag:$0x3] =	stream.indirect.gather [hbm4b:s4+s13], $0x1, s14, s13, $0xb8;
	[tilespmem:$0x19900] =	vst v63  }
0x38: {  	_ = 	snop  }
0x39: {  	[tilespmem:s18], [sflag:$0x1] =	stream.indirect.gather [hbm4b:s3+s17], $0x80, s2, s17, $0xb8;
	[tilespmem:$0x19900] =	vst v63  }
0x3a: {  	_ = 	snop  }
0x3b: {  	[tilespmem:s19], [sflag:$0x1] =	stream.indirect.gather [hbm4b:s3+s17], $0x80, s13, s17, $0xb8;
	[tilespmem:$0x19900] =	vst v63  }
0x3c: {  	_ = 	snop  }
0x3d: {  	[tilespmem:s20], [sflag:$0x1] =	stream.indirect.gather [hbm4b:s3+s17], $0x80, s14, s17, $0xb8;
	[tilespmem:$0x19900] =	vst v63  }
0x3e: {  	_ = 	snop  }
0x3f: {  	[tilespmem:s21], [sflag:$0x1] =	stream.indirect.gather [hbm4b:s3+s17], $0x80, s17, s17, $0xb8;
	[tilespmem:$0x19900] =	vst v63  }
0x40: {  	s0 =	simm.s32 $0x580  }
0x41: {  	[tilespmem:s23], [sflag:$0x1] =	stream.indirect.gather [hbm4b:s3+s17], $0x80, s0, s17, $0xb8;
	[tilespmem:$0x19900] =	vst v63  }
0x42: {  	s31 =	smov.u32 s11;
	s0 =	simm.s32 $0x0  }
0x43: {  	[tilespmem:s25], [sflag:$0x1] =	stream.indirect.gather [hbm4b:s3+s17], $0x80, s24, s17, $0xb8;
	[tilespmem:$0x19900] =	vst v63  }
.LBB2_2:
0x44: {  	_ =	swait.ge [sflag:s26], $0x4000  }
0x45: {  	[sflag:s26] =	ssyncset.done $0x0  }
0x46: {  	[sflag:s26] =	ssyncadd.s32 $0xFFFFC000  }
0x47: {  	_ =	swait.ge [sflag:s26], $0x4000  }
0x48: {  	[sflag:s26] =	ssyncset.done $0x0  }
0x49: {  	[sflag:s26] =	ssyncadd.s32 $0xFFFFC000  }
0x4a: {  	_ =	swait.ge [sflag:s26], $0x4000  }
0x4b: {  	[sflag:s26] =	ssyncset.done $0x0  }
0x4c: {  	s1 =	sadd.s32 $0xFFEBF800, s31;
	[sflag:s26] =	ssyncadd.s32 $0xFFFFC000  }
0x4d: {  	[hbm4b:s1+s2] =	stream.linear.scatter [tilespmem:s18], [sflag:$0x2], $0x4000, $0x38;
	[tilespmem:$0x19900] =	vst v63  }
0x4e: {  	s22 =	sadd.s32 $0xFFF5F800, s31  }
0x4f: {  	[hbm4b:s22+s2] =	stream.linear.scatter [tilespmem:s19], [sflag:$0x2], $0x4000, $0x38;
	[tilespmem:$0x19900] =	vst v63  }
0x50: {  	s22 =	sadd.s32 $0xFFFFF800, s31  }
0x51: {  	[hbm4b:s22+s2] =	stream.linear.scatter [tilespmem:s20], [sflag:$0x2], $0x4000, $0x38;
	[tilespmem:$0x19900] =	vst v63  }
0x52: {  	_ =	swait.ge [sflag:s26], $0x4000  }
0x53: {  	[sflag:s26] =	ssyncset.done $0x0  }
0x54: {  	[sflag:s26] =	ssyncadd.s32 $0xFFFFC000  }
0x55: {  	_ =	swait.ge [sflag:s26], $0x4000  }
0x56: {  	[sflag:s26] =	ssyncset.done $0x0  }
0x57: {  	[sflag:s26] =	ssyncadd.s32 $0xFFFFC000  }
0x58: {  	_ =	swait.ge [sflag:s26], $0x4000  }
0x59: {  	[sflag:s26] =	ssyncset.done $0x0  }
0x5a: {  	s22 =	sadd.s32 $0xFFEC0000, s31;
	[sflag:s26] =	ssyncadd.s32 $0xFFFFC000  }
0x5b: {  	[hbm4b:s22+s2] =	stream.linear.scatter [tilespmem:s21], [sflag:$0x2], $0x4000, $0x38;
	[tilespmem:$0x19900] =	vst v63  }
0x5c: {  	s22 =	sadd.s32 $0xFFF60000, s31  }
0x5d: {  	[hbm4b:s22+s2] =	stream.linear.scatter [tilespmem:s23], [sflag:$0x2], $0x4000, $0x38;
	[tilespmem:$0x19900] =	vst v63  }
0x5e: {  	_ = 	snop  }
0x5f: {  	[hbm4b:s31+s2] =	stream.linear.scatter [tilespmem:s25], [sflag:$0x2], $0x4000, $0x38;
	[tilespmem:$0x19900] =	vst v63  }
0x60: {  	_ =	swait.ge [sflag:s28], $0x4000  }
0x61: {  	[sflag:s28] =	ssyncset.done $0x0  }
0x62: {  	[sflag:s28] =	ssyncadd.s32 $0xFFFFC000  }
0x63: {  	p0 =	seq.s32 s0, $0x1000;
	_ =	swait.ge [sflag:s28], $0x4000  }
.Ltmp2:
0x64: {  	[sflag:s28] =	ssyncset.done $0x0;
	(pc) =	sbr.rel @p0 .LBB2_4-.Ltmp2, $4  }
0x65: {  	[sflag:s28] =	ssyncadd.s32 $0xFFFFC000  }
0x66: {  	_ =	swait.ge [sflag:s28], $0x4000  }
0x67: {  	[sflag:s28] =	ssyncset.done $0x0  }
0x68: {  	[sflag:s28] =	ssyncadd.s32 $0xFFFFC000  }
0x69: {  	s1 =	sshra.s32 s0, $0x2  }
0x6a: {  	s22 =	sadd.s32 $0x100, s1  }
0x6b: {  	[tilespmem:s18], [sflag:$0x1] =	stream.indirect.gather [hbm4b:s3+s17], $0x80, s22, s17, $0xb8;
	[tilespmem:$0x19900] =	vst v63  }
0x6c: {  	s22 =	sadd.s32 $0x600, s1  }
0x6d: {  	[tilespmem:s19], [sflag:$0x1] =	stream.indirect.gather [hbm4b:s3+s17], $0x80, s22, s17, $0xb8;
	[tilespmem:$0x19900] =	vst v63  }
0x6e: {  	s22 =	sadd.s32 $0xB00, s1  }
0x6f: {  	[tilespmem:s20], [sflag:$0x1] =	stream.indirect.gather [hbm4b:s3+s17], $0x80, s22, s17, $0xb8;
	[tilespmem:$0x19900] =	vst v63  }
0x70: {  	_ =	swait.ge [sflag:s28], $0x4000  }
0x71: {  	[sflag:s28] =	ssyncset.done $0x0  }
0x72: {  	[sflag:s28] =	ssyncadd.s32 $0xFFFFC000  }
0x73: {  	_ =	swait.ge [sflag:s28], $0x4000  }
0x74: {  	[sflag:s28] =	ssyncset.done $0x0  }
0x75: {  	[sflag:s28] =	ssyncadd.s32 $0xFFFFC000  }
0x76: {  	_ =	swait.ge [sflag:s28], $0x4000  }
0x77: {  	[sflag:s28] =	ssyncset.done $0x0  }
0x78: {  	s22 =	sadd.s32 $0x180, s1;
	[sflag:s28] =	ssyncadd.s32 $0xFFFFC000  }
0x79: {  	[tilespmem:s21], [sflag:$0x1] =	stream.indirect.gather [hbm4b:s3+s17], $0x80, s22, s17, $0xb8;
	[tilespmem:$0x19900] =	vst v63  }
.Ltmp3:
0x7a: {  	_ = 	snop;
	(pc) =	sbr.rel .LBB2_2-.Ltmp3, $4  }
0x7b: {  	s22 =	sadd.s32 $0x680, s1  }
0x7c: {  	[tilespmem:s23], [sflag:$0x1] =	stream.indirect.gather [hbm4b:s3+s17], $0x80, s22, s17, $0xb8;
	[tilespmem:$0x19900] =	vst v63  }
0x7d: {  	s0 =	sadd.s32 $0x400, s0;
	s31 =	sadd.s32 $0x1000, s31;
	s1 =	sadd.s32 $0xB80, s1  }
0x7e: {  	[tilespmem:s25], [sflag:$0x1] =	stream.indirect.gather [hbm4b:s3+s17], $0x80, s1, s17, $0xb8;
	[tilespmem:$0x19900] =	vst v63  }
.LBB2_5:
0x7f: {  	_ =	sfence.sel $0x180000  }
0x80: {  	[bflag:$0x0] =	sbarrier.arrive $0xFFFF  }
0x81: {  	_ =	strace $0x90000047  }
0x82: {  	s0 =	stileid.u32;
	[bflag:$0x2] =	sbarrier.arrive $0xFFFF  }
0x83: {  	p0 =	sne.s32 s0, $0x0;
	s0 =	rddreg [dreg:$0x1]  }
0x84: {  	s0 =	sadd.s32 @!p0 $0x100000, s0  }
0x85: {  	[sflag:s0] =	ssyncadd.tile.s32 @!p0 $0x1;
	_ =	shalt  }
.Lfunc_end2:
_tile_overlayer_lowered:
.L_overlay_start_2:
0x86: {  	(tag) =	ssettag $0x2  }
0x87: {  	s0 =	rddreg [dreg:$0x0];
	s2 =	stileid.u32  }
0x88: {  	s1 =	rddreg [dreg:$0x1];
	p0 =	sne.s32 s2, $0x0  }
0x89: {  	s3 =	rddreg [dreg:$0x2];
	[bflag:$0x3] =	sbarrier.arrive $0xFFFF;
	s2 =	simm.s32 @!p0 $0x1C04  }
0x8a: {  	[timem:s3], [sflag:s2] =	dma.local @!p0 [hbm:s0], s1  }
0x8b: {  	s0 =	simm.s32 @!p0 $0x4  }
0x8c: {  	_ =	swait.ge @!p0 [sflag:s0], s1  }
0x8d: {  	s1 =	ssub.s32 @!p0 $0x0, s1;
	[sflag:s0] =	ssyncset.done @!p0 $0x0  }
0x8e: {  	[sflag:s0] =	ssyncadd.s32 @!p0 s1  }
0x8f: {  	[bflag:$0x3] =	sbarrier.arrive $0xFFFF  }
0x90: {  	_ =	shalt  }

</sc_bundles>
